<compile_context>
chip_gen: v7x
topology: tpu7x:2x2x1
jax: 0.10.2.dev20260603
libtpu: 0.0.44.dev20260713+nightly
codegen_flags: <defaults>
</compile_context>

<pallas_src>
import functools

import jax
import jax.numpy as jnp
from jax import lax
from jax.experimental import pallas as pl
from jax.experimental.pallas import tpu as pltpu
from jax.experimental.pallas import tpu_sc as plsc

L = 100
E = 64
LE = L * E
LANES = 16
ROWS_PER_CHUNK = 8


@functools.lru_cache(maxsize=None)
def _make_sc_kernel(B: int):
    info = plsc.get_sparse_core_info()
    nw = info.num_cores * info.num_subcores
    rows_per_w = B // nw
    R = ROWS_PER_CHUNK
    n_chunks = rows_per_w // R
    mesh = plsc.VectorSubcoreMesh(core_axis_name="c", subcore_axis_name="s")

    @functools.partial(
        pl.kernel,
        mesh=mesh,
        out_type=jax.ShapeDtypeStruct((B * LE,), jnp.float32),
        scratch_types=[
            pltpu.VMEM((LE,), jnp.float32),
            pltpu.VMEM((rows_per_w, L), jnp.float32),
            pltpu.VMEM((R * LE,), jnp.float32),
            pltpu.VMEM((R * LE,), jnp.float32),
            pltpu.SemaphoreType.DMA,
            pltpu.SemaphoreType.DMA,
        ],
        compiler_params=pltpu.CompilerParams(needs_layout_passes=False),
    )
    def sc_kernel(in_hbm, emb_hbm, out_hbm, emb_v, in_v, out0, out1, sem0, sem1):
        c = lax.axis_index("c")
        s = lax.axis_index("s")
        wid = s * info.num_cores + c
        row0 = wid * rows_per_w
        pltpu.sync_copy(emb_hbm, emb_v)
        pltpu.sync_copy(in_hbm.at[pl.ds(row0, rows_per_w)], in_v)

        outs = (out0, out1)
        sems = (sem0, sem1)

        def compute(g, out_v):
            @plsc.parallel_loop(0, L, unroll=1)
            def _(i):
                evs = [
                    emb_v[pl.ds(i * E + kk * LANES, LANES)]
                    for kk in range(E // LANES)
                ]
                for r in range(R):
                    ridx = jnp.full((LANES,), g * R + r, jnp.int32)
                    iidx = jnp.full((LANES,), 0, jnp.int32) + i
                    sval = plsc.load_gather(in_v, [ridx, iidx])
                    for kk in range(E // LANES):
                        out_v[pl.ds(r * LE + i * E + kk * LANES, LANES)] = (
                            sval * evs[kk]
                        )

        def start_store(g, b):
            pltpu.async_copy(
                outs[b], out_hbm.at[pl.ds((row0 + g * R) * LE, R * LE)], sems[b]
            )

        def wait_store(g, b):
            pltpu.make_async_copy(
                outs[b], out_hbm.at[pl.ds((row0 + g * R) * LE, R * LE)], sems[b]
            ).wait()

        @pl.loop(0, n_chunks, step=2)
        def _(g):
            for b in range(2):
                @pl.when(g + b >= 2)
                def _():
                    wait_store(g + b - 2, b)

                compute(g + b, outs[b])
                start_store(g + b, b)

        for b in range(2):
            wait_store(jnp.int32(n_chunks - 2 + b), b)

    return sc_kernel


def kernel(input, emb_table):
    B = input.shape[0]
    out = _make_sc_kernel(B)(input, emb_table.reshape(-1))
    return out.reshape(B, 1, LE)

# --- scband reference (transcript-rebuilt; emitter-appended) ---
"""Pipeline reference for scband-chemical-embedding-25838523252762 (READ-ONLY COPY).

The authoritative reference and input builder live on the scoring server;
editing this copy changes nothing except your own understanding.
"""

import jax, jax.numpy as jnp
import numpy as np

LENGTH = 100
EMBED = 64
BATCH = 4096


def setup_inputs(seed: int = 0) -> dict:
    key = jax.random.key(seed)
    k1, k2 = jax.random.split(key)
    inp = jax.random.uniform(k1, (BATCH, LENGTH), dtype=jnp.float32)
    emb_table = jax.random.normal(k2, (LENGTH, EMBED), dtype=jnp.float32) * 0.1
    return {"input": inp, "emb_table": emb_table}


def reference(input, emb_table):
    B = input.shape[0]
    L, E = emb_table.shape
    # index = tile(arange(L), (B, 1)); embedding lookup then flatten
    index = jnp.tile(jnp.arange(L, dtype=jnp.int64), (B, 1))
    embed = jnp.take(emb_table, index, axis=0).reshape(-1)
    # trans[i, i*E + j] = 1  (block one-hot expansion matrix)
    trans = jnp.zeros((L, L * E), dtype=input.dtype)
    rows = jnp.repeat(jnp.arange(L), E)
    cols = jnp.arange(L * E)
    trans = trans.at[rows, cols].set(1.0)
    expanded_data = jnp.einsum('ij,jk->ik', input, trans).reshape(-1)
    result = (expanded_data * embed).reshape(B, 1, -1)
    return result

if __name__ == "__main__":
    import jax
    _d = setup_inputs()
    print(jax.jit(kernel)(*tuple(_d.values())))

</pallas_src>

<mosaic_0001>
#map = affine_map<(d0, d1) -> (0, 0)>
#map1 = affine_map<(d0, d1) -> (0)>
module attributes {stable_mosaic.version = 14 : i64} {
  func.func @sc_kernel(%arg0: i32, %arg1: i32, %arg2: memref<4096x100xf32, #tpu.memory_space<hbm>>, %arg3: memref<6400xf32, #tpu.memory_space<hbm>>, %arg4: memref<26214400xf32, #tpu.memory_space<hbm>>, %arg5: memref<6400xf32, #tpu.memory_space<vmem>>, %arg6: memref<128x100xf32, #tpu.memory_space<vmem>>, %arg7: memref<51200xf32, #tpu.memory_space<vmem>>, %arg8: memref<51200xf32, #tpu.memory_space<vmem>>, %arg9: memref<!tpu.dma_semaphore, #tpu.memory_space<semaphore_mem>>, %arg10: memref<!tpu.dma_semaphore, #tpu.memory_space<semaphore_mem>>) attributes {dimension_semantics = [#tpu.dimension_semantics<core_parallel>, #tpu.dimension_semantics<subcore_parallel>], iteration_bounds = array<i64: 2, 16>, scalar_prefetch = 0 : i64, scratch_operands = 6 : i64, tpu.core_type = #tpu.core_type<sc_vector_subcore>, window_params = [{transform_indices = #map}, {transform_indices = #map1}, {transform_indices = #map1}]} {
    %mul3A = arith.constant 2 : i32
    %mul3A_0 = arith.muli %arg1, %mul3A : i32
    %add3A = arith.addi %mul3A_0, %arg0 : i32
    %mul3A_1 = arith.constant 128 : i32
    %mul3A_2 = arith.muli %add3A, %mul3A_1 : i32
    "tpu.region"() ({
      %run_scoped3A = tpu.sem_alloc : memref<!tpu.dma_semaphore, #tpu.memory_space<semaphore_mem>>
      tpu.enqueue_dma source(%arg3 : memref<6400xf32, #tpu.memory_space<hbm>>) target(%arg5 : memref<6400xf32, #tpu.memory_space<vmem>>) target_semaphore(%run_scoped3A : memref<!tpu.dma_semaphore, #tpu.memory_space<semaphore_mem>>)
      tpu.wait_dma2 semaphore(%run_scoped3A : memref<!tpu.dma_semaphore, #tpu.memory_space<semaphore_mem>>) src(%arg3 : memref<6400xf32, #tpu.memory_space<hbm>>) dst(%arg5 : memref<6400xf32, #tpu.memory_space<vmem>>)
      tpu.yield
    }) : () -> ()
    "tpu.region"() ({
      %run_scoped3A = tpu.sem_alloc : memref<!tpu.dma_semaphore, #tpu.memory_space<semaphore_mem>>
      %dma_start3A = arith.constant 0 : i32
      %dma_start3A_22 = tpu.memref_slice %arg2[%mul3A_2, %dma_start3A] : memref<4096x100xf32, #tpu.memory_space<hbm>> -> memref<128x100xf32, #tpu.memory_space<hbm>>
      %dma_start3A_23 = arith.constant 0 : i32
      %dma_start3A_24 = tpu.memref_slice %arg2[%mul3A_2, %dma_start3A_23] : memref<4096x100xf32, #tpu.memory_space<hbm>> -> memref<128x100xf32, #tpu.memory_space<hbm>>
      tpu.enqueue_dma source(%dma_start3A_24 : memref<128x100xf32, #tpu.memory_space<hbm>>) target(%arg6 : memref<128x100xf32, #tpu.memory_space<vmem>>) target_semaphore(%run_scoped3A : memref<!tpu.dma_semaphore, #tpu.memory_space<semaphore_mem>>)
      %dma_wait3A_25 = arith.constant 0 : i32
      %dma_wait3A_26 = tpu.memref_slice %arg2[%mul3A_2, %dma_wait3A_25] : memref<4096x100xf32, #tpu.memory_space<hbm>> -> memref<128x100xf32, #tpu.memory_space<hbm>>
      %dma_wait3A_27 = arith.constant 0 : i32
      %dma_wait3A_28 = tpu.memref_slice %arg2[%mul3A_2, %dma_wait3A_27] : memref<4096x100xf32, #tpu.memory_space<hbm>> -> memref<128x100xf32, #tpu.memory_space<hbm>>
      tpu.wait_dma2 semaphore(%run_scoped3A : memref<!tpu.dma_semaphore, #tpu.memory_space<semaphore_mem>>) src(%dma_wait3A_28 : memref<128x100xf32, #tpu.memory_space<hbm>>) dst(%arg6 : memref<128x100xf32, #tpu.memory_space<vmem>>)
      tpu.yield
    }) : () -> ()
    %scan3A = arith.constant 0 : i32
    %scan3A_3 = arith.constant 8 : i32
    %scan3A_4 = arith.addi %scan3A, %scan3A_3 : i32
    %scan3A_5 = arith.constant 1 : i32
    scf.for %scan3A_22 = %scan3A to %scan3A_4 step %scan3A_5  : i32 {
      %mul3A_23 = arith.constant 2 : i32
      %mul3A_24 = arith.muli %scan3A_22, %mul3A_23 : i32
      %add3A_25 = arith.constant 0 : i32
      %add3A_26 = arith.addi %add3A_25, %mul3A_24 : i32
      %add3A_27 = arith.constant 0 : i32
      %add3A_28 = arith.addi %add3A_26, %add3A_27 : i32
      %ge3A = arith.constant 2 : i32
      %ge3A_29 = arith.cmpi sge, %add3A_28, %ge3A : i32
      %convert_element_type3A = arith.extui %ge3A_29 : i1 to i32
      %cond3A = arith.constant 0 : i32
      %cond3A_30 = arith.cmpi ne, %convert_element_type3A, %cond3A : i32
      scf.if %cond3A_30 {
        %add3A_64 = arith.constant 0 : i32
        %add3A_65 = arith.addi %add3A_26, %add3A_64 : i32
        %sub3A = arith.constant 2 : i32
        %sub3A_66 = arith.subi %add3A_65, %sub3A : i32
        %mul3A_67 = arith.constant 8 : i32
        %mul3A_68 = arith.muli %sub3A_66, %mul3A_67 : i32
        %add3A_69 = arith.addi %mul3A_2, %mul3A_68 : i32
        %mul3A_70 = arith.constant 6400 : i32
        %mul3A_71 = arith.muli %add3A_69, %mul3A_70 : i32
        %dma_wait3A_72 = tpu.memref_slice %arg4[%mul3A_71] : memref<26214400xf32, #tpu.memory_space<hbm>> -> memref<51200xf32, #tpu.memory_space<hbm>>
        %dma_wait3A_73 = tpu.memref_slice %arg4[%mul3A_71] : memref<26214400xf32, #tpu.memory_space<hbm>> -> memref<51200xf32, #tpu.memory_space<hbm>>
        tpu.wait_dma2 semaphore(%arg9 : memref<!tpu.dma_semaphore, #tpu.memory_space<semaphore_mem>>) src(%arg7 : memref<51200xf32, #tpu.memory_space<vmem>>) dst(%dma_wait3A_73 : memref<51200xf32, #tpu.memory_space<hbm>>)
      } else {
      }
      %add3A_31 = arith.constant 0 : i32
      %add3A_32 = arith.addi %add3A_26, %add3A_31 : i32
      %parallel_loop3A = arith.constant 0 : i32
      %parallel_loop3A_33 = arith.constant 100 : i32
      %parallel_loop3A_34 = arith.constant 1 : i32
      scf.for %parallel_loop3A_64 = %parallel_loop3A to %parallel_loop3A_33 step %parallel_loop3A_34  : i32 {
        %parallel_loop3A_65 = arith.constant 64 : i32
        %parallel_loop3A_66 = arith.muli %parallel_loop3A_64, %parallel_loop3A_65 : i32
        %parallel_loop3A_67 = arith.constant 0 : i32
        %parallel_loop3A_68 = arith.addi %parallel_loop3A_66, %parallel_loop3A_67 : i32
        %parallel_loop3A_69 = arith.index_cast %parallel_loop3A_68 : i32 to index
        %parallel_loop3A_70 = tpu.vector_load %arg5[%parallel_loop3A_69] {strides = array<i32>} : memref<6400xf32, #tpu.memory_space<vmem>>, vector<16xf32>,
        %parallel_loop3A_71 = arith.constant 64 : i32
        %parallel_loop3A_72 = arith.muli %parallel_loop3A_64, %parallel_loop3A_71 : i32
        %parallel_loop3A_73 = arith.constant 16 : i32
        %parallel_loop3A_74 = arith.addi %parallel_loop3A_72, %parallel_loop3A_73 : i32
        %parallel_loop3A_75 = arith.index_cast %parallel_loop3A_74 : i32 to index
        %parallel_loop3A_76 = tpu.vector_load %arg5[%parallel_loop3A_75] {strides = array<i32>} : memref<6400xf32, #tpu.memory_space<vmem>>, vector<16xf32>,
        %parallel_loop3A_77 = arith.constant 64 : i32
        %parallel_loop3A_78 = arith.muli %parallel_loop3A_64, %parallel_loop3A_77 : i32
        %parallel_loop3A_79 = arith.constant 32 : i32
        %parallel_loop3A_80 = arith.addi %parallel_loop3A_78, %parallel_loop3A_79 : i32
        %parallel_loop3A_81 = arith.index_cast %parallel_loop3A_80 : i32 to index
        %parallel_loop3A_82 = tpu.vector_load %arg5[%parallel_loop3A_81] {strides = array<i32>} : memref<6400xf32, #tpu.memory_space<vmem>>, vector<16xf32>,
        %parallel_loop3A_83 = arith.constant 64 : i32
        %parallel_loop3A_84 = arith.muli %parallel_loop3A_64, %parallel_loop3A_83 : i32
        %parallel_loop3A_85 = arith.constant 48 : i32
        %parallel_loop3A_86 = arith.addi %parallel_loop3A_84, %parallel_loop3A_85 : i32
        %parallel_loop3A_87 = arith.index_cast %parallel_loop3A_86 : i32 to index
        %parallel_loop3A_88 = tpu.vector_load %arg5[%parallel_loop3A_87] {strides = array<i32>} : memref<6400xf32, #tpu.memory_space<vmem>>, vector<16xf32>,
        %parallel_loop3A_89 = arith.constant 8 : i32
        %parallel_loop3A_90 = arith.muli %add3A_32, %parallel_loop3A_89 : i32
        %parallel_loop3A_91 = arith.constant 0 : i32
        %parallel_loop3A_92 = arith.addi %parallel_loop3A_90, %parallel_loop3A_91 : i32
        %parallel_loop3A_93 = vector.broadcast %parallel_loop3A_92 : i32 to vector<16xi32>
        %parallel_loop3A_94 = arith.constant 0 : i32
        %parallel_loop3A_95 = vector.broadcast %parallel_loop3A_94 : i32 to vector<16xi32>
        %parallel_loop3A_96 = vector.broadcast %parallel_loop3A_64 : i32 to vector<16xi32>
        %parallel_loop3A_97 = arith.addi %parallel_loop3A_95, %parallel_loop3A_96 : vector<16xi32>
        %parallel_loop3A_98 = tpu.vector_load_idx %arg6[%parallel_loop3A_93, %parallel_loop3A_97] : memref<128x100xf32, #tpu.memory_space<vmem>>[vector<16xi32>, vector<16xi32>], vector<16xf32>,
        %parallel_loop3A_99 = arith.mulf %parallel_loop3A_98, %parallel_loop3A_70 : vector<16xf32>
        %parallel_loop3A_100 = arith.constant 64 : i32
        %parallel_loop3A_101 = arith.muli %parallel_loop3A_64, %parallel_loop3A_100 : i32
        %parallel_loop3A_102 = arith.constant 0 : i32
        %parallel_loop3A_103 = arith.addi %parallel_loop3A_102, %parallel_loop3A_101 : i32
        %parallel_loop3A_104 = arith.constant 0 : i32
        %parallel_loop3A_105 = arith.addi %parallel_loop3A_103, %parallel_loop3A_104 : i32
        %parallel_loop3A_106 = arith.index_cast %parallel_loop3A_105 : i32 to index
        %parallel_loop3A_107 = tpu.vector_load %arg7[%parallel_loop3A_106] {strides = array<i32>} : memref<51200xf32, #tpu.memory_space<vmem>>, vector<16xf32>,
        tpu.vector_store %arg7[%parallel_loop3A_106], %parallel_loop3A_99 {strides = array<i32>} : memref<51200xf32, #tpu.memory_space<vmem>>, vector<16xf32>,
        %parallel_loop3A_108 = arith.mulf %parallel_loop3A_98, %parallel_loop3A_76 : vector<16xf32>
        %parallel_loop3A_109 = arith.constant 64 : i32
        %parallel_loop3A_110 = arith.muli %parallel_loop3A_64, %parallel_loop3A_109 : i32
        %parallel_loop3A_111 = arith.constant 0 : i32
        %parallel_loop3A_112 = arith.addi %parallel_loop3A_111, %parallel_loop3A_110 : i32
        %parallel_loop3A_113 = arith.constant 16 : i32
        %parallel_loop3A_114 = arith.addi %parallel_loop3A_112, %parallel_loop3A_113 : i32
        %parallel_loop3A_115 = arith.index_cast %parallel_loop3A_114 : i32 to index
        %parallel_loop3A_116 = tpu.vector_load %arg7[%parallel_loop3A_115] {strides = array<i32>} : memref<51200xf32, #tpu.memory_space<vmem>>, vector<16xf32>,
        tpu.vector_store %arg7[%parallel_loop3A_115], %parallel_loop3A_108 {strides = array<i32>} : memref<51200xf32, #tpu.memory_space<vmem>>, vector<16xf32>,
        %parallel_loop3A_117 = arith.mulf %parallel_loop3A_98, %parallel_loop3A_82 : vector<16xf32>
        %parallel_loop3A_118 = arith.constant 64 : i32
        %parallel_loop3A_119 = arith.muli %parallel_loop3A_64, %parallel_loop3A_118 : i32
        %parallel_loop3A_120 = arith.constant 0 : i32
        %parallel_loop3A_121 = arith.addi %parallel_loop3A_120, %parallel_loop3A_119 : i32
        %parallel_loop3A_122 = arith.constant 32 : i32
        %parallel_loop3A_123 = arith.addi %parallel_loop3A_121, %parallel_loop3A_122 : i32
        %parallel_loop3A_124 = arith.index_cast %parallel_loop3A_123 : i32 to index
        %parallel_loop3A_125 = tpu.vector_load %arg7[%parallel_loop3A_124] {strides = array<i32>} : memref<51200xf32, #tpu.memory_space<vmem>>, vector<16xf32>,
        tpu.vector_store %arg7[%parallel_loop3A_124], %parallel_loop3A_117 {strides = array<i32>} : memref<51200xf32, #tpu.memory_space<vmem>>, vector<16xf32>,
        %parallel_loop3A_126 = arith.mulf %parallel_loop3A_98, %parallel_loop3A_88 : vector<16xf32>
        %parallel_loop3A_127 = arith.constant 64 : i32
        %parallel_loop3A_128 = arith.muli %parallel_loop3A_64, %parallel_loop3A_127 : i32
        %parallel_loop3A_129 = arith.constant 0 : i32
        %parallel_loop3A_130 = arith.addi %parallel_loop3A_129, %parallel_loop3A_128 : i32
        %parallel_loop3A_131 = arith.constant 48 : i32
        %parallel_loop3A_132 = arith.addi %parallel_loop3A_130, %parallel_loop3A_131 : i32
        %parallel_loop3A_133 = arith.index_cast %parallel_loop3A_132 : i32 to index
        %parallel_loop3A_134 = tpu.vector_load %arg7[%parallel_loop3A_133] {strides = array<i32>} : memref<51200xf32, #tpu.memory_space<vmem>>, vector<16xf32>,
        tpu.vector_store %arg7[%parallel_loop3A_133], %parallel_loop3A_126 {strides = array<i32>} : memref<51200xf32, #tpu.memory_space<vmem>>, vector<16xf32>,
        %parallel_loop3A_135 = arith.constant 8 : i32
        %parallel_loop3A_136 = arith.muli %add3A_32, %parallel_loop3A_135 : i32
        %parallel_loop3A_137 = arith.constant 1 : i32
        %parallel_loop3A_138 = arith.addi %parallel_loop3A_136, %parallel_loop3A_137 : i32
        %parallel_loop3A_139 = vector.broadcast %parallel_loop3A_138 : i32 to vector<16xi32>
        %parallel_loop3A_140 = arith.constant 0 : i32
        %parallel_loop3A_141 = vector.broadcast %parallel_loop3A_140 : i32 to vector<16xi32>
        %parallel_loop3A_142 = vector.broadcast %parallel_loop3A_64 : i32 to vector<16xi32>
        %parallel_loop3A_143 = arith.addi %parallel_loop3A_141, %parallel_loop3A_142 : vector<16xi32>
        %parallel_loop3A_144 = tpu.vector_load_idx %arg6[%parallel_loop3A_139, %parallel_loop3A_143] : memref<128x100xf32, #tpu.memory_space<vmem>>[vector<16xi32>, vector<16xi32>], vector<16xf32>,
        %parallel_loop3A_145 = arith.mulf %parallel_loop3A_144, %parallel_loop3A_70 : vector<16xf32>
        %parallel_loop3A_146 = arith.constant 64 : i32
        %parallel_loop3A_147 = arith.muli %parallel_loop3A_64, %parallel_loop3A_146 : i32
        %parallel_loop3A_148 = arith.constant 6400 : i32
        %parallel_loop3A_149 = arith.addi %parallel_loop3A_148, %parallel_loop3A_147 : i32
        %parallel_loop3A_150 = arith.constant 0 : i32
        %parallel_loop3A_151 = arith.addi %parallel_loop3A_149, %parallel_loop3A_150 : i32
        %parallel_loop3A_152 = arith.index_cast %parallel_loop3A_151 : i32 to index
        %parallel_loop3A_153 = tpu.vector_load %arg7[%parallel_loop3A_152] {strides = array<i32>} : memref<51200xf32, #tpu.memory_space<vmem>>, vector<16xf32>,
        tpu.vector_store %arg7[%parallel_loop3A_152], %parallel_loop3A_145 {strides = array<i32>} : memref<51200xf32, #tpu.memory_space<vmem>>, vector<16xf32>,
        %parallel_loop3A_154 = arith.mulf %parallel_loop3A_144, %parallel_loop3A_76 : vector<16xf32>
        %parallel_loop3A_155 = arith.constant 64 : i32
        %parallel_loop3A_156 = arith.muli %parallel_loop3A_64, %parallel_loop3A_155 : i32
        %parallel_loop3A_157 = arith.constant 6400 : i32
        %parallel_loop3A_158 = arith.addi %parallel_loop3A_157, %parallel_loop3A_156 : i32
        %parallel_loop3A_159 = arith.constant 16 : i32
        %parallel_loop3A_160 = arith.addi %parallel_loop3A_158, %parallel_loop3A_159 : i32
        %parallel_loop3A_161 = arith.index_cast %parallel_loop3A_160 : i32 to index
        %parallel_loop3A_162 = tpu.vector_load %arg7[%parallel_loop3A_161] {strides = array<i32>} : memref<51200xf32, #tpu.memory_space<vmem>>, vector<16xf32>,
        tpu.vector_store %arg7[%parallel_loop3A_161], %parallel_loop3A_154 {strides = array<i32>} : memref<51200xf32, #tpu.memory_space<vmem>>, vector<16xf32>,
        %parallel_loop3A_163 = arith.mulf %parallel_loop3A_144, %parallel_loop3A_82 : vector<16xf32>
        %parallel_loop3A_164 = arith.constant 64 : i32
        %parallel_loop3A_165 = arith.muli %parallel_loop3A_64, %parallel_loop3A_164 : i32
        %parallel_loop3A_166 = arith.constant 6400 : i32
        %parallel_loop3A_167 = arith.addi %parallel_loop3A_166, %parallel_loop3A_165 : i32
        %parallel_loop3A_168 = arith.constant 32 : i32
        %parallel_loop3A_169 = arith.addi %parallel_loop3A_167, %parallel_loop3A_168 : i32
        %parallel_loop3A_170 = arith.index_cast %parallel_loop3A_169 : i32 to index
        %parallel_loop3A_171 = tpu.vector_load %arg7[%parallel_loop3A_170] {strides = array<i32>} : memref<51200xf32, #tpu.memory_space<vmem>>, vector<16xf32>,
        tpu.vector_store %arg7[%parallel_loop3A_170], %parallel_loop3A_163 {strides = array<i32>} : memref<51200xf32, #tpu.memory_space<vmem>>, vector<16xf32>,
        %parallel_loop3A_172 = arith.mulf %parallel_loop3A_144, %parallel_loop3A_88 : vector<16xf32>
        %parallel_loop3A_173 = arith.constant 64 : i32
        %parallel_loop3A_174 = arith.muli %parallel_loop3A_64, %parallel_loop3A_173 : i32
        %parallel_loop3A_175 = arith.constant 6400 : i32
        %parallel_loop3A_176 = arith.addi %parallel_loop3A_175, %parallel_loop3A_174 : i32
        %parallel_loop3A_177 = arith.constant 48 : i32
        %parallel_loop3A_178 = arith.addi %parallel_loop3A_176, %parallel_loop3A_177 : i32
        %parallel_loop3A_179 = arith.index_cast %parallel_loop3A_178 : i32 to index
        %parallel_loop3A_180 = tpu.vector_load %arg7[%parallel_loop3A_179] {strides = array<i32>} : memref<51200xf32, #tpu.memory_space<vmem>>, vector<16xf32>,
        tpu.vector_store %arg7[%parallel_loop3A_179], %parallel_loop3A_172 {strides = array<i32>} : memref<51200xf32, #tpu.memory_space<vmem>>, vector<16xf32>,
        %parallel_loop3A_181 = arith.constant 8 : i32
        %parallel_loop3A_182 = arith.muli %add3A_32, %parallel_loop3A_181 : i32
        %parallel_loop3A_183 = arith.constant 2 : i32
        %parallel_loop3A_184 = arith.addi %parallel_loop3A_182, %parallel_loop3A_183 : i32
        %parallel_loop3A_185 = vector.broadcast %parallel_loop3A_184 : i32 to vector<16xi32>
        %parallel_loop3A_186 = arith.constant 0 : i32
        %parallel_loop3A_187 = vector.broadcast %parallel_loop3A_186 : i32 to vector<16xi32>
        %parallel_loop3A_188 = vector.broadcast %parallel_loop3A_64 : i32 to vector<16xi32>
        %parallel_loop3A_189 = arith.addi %parallel_loop3A_187, %parallel_loop3A_188 : vector<16xi32>
        %parallel_loop3A_190 = tpu.vector_load_idx %arg6[%parallel_loop3A_185, %parallel_loop3A_189] : memref<128x100xf32, #tpu.memory_space<vmem>>[vector<16xi32>, vector<16xi32>], vector<16xf32>,
        %parallel_loop3A_191 = arith.mulf %parallel_loop3A_190, %parallel_loop3A_70 : vector<16xf32>
        %parallel_loop3A_192 = arith.constant 64 : i32
        %parallel_loop3A_193 = arith.muli %parallel_loop3A_64, %parallel_loop3A_192 : i32
        %parallel_loop3A_194 = arith.constant 12800 : i32
        %parallel_loop3A_195 = arith.addi %parallel_loop3A_194, %parallel_loop3A_193 : i32
        %parallel_loop3A_196 = arith.constant 0 : i32
        %parallel_loop3A_197 = arith.addi %parallel_loop3A_195, %parallel_loop3A_196 : i32
        %parallel_loop3A_198 = arith.index_cast %parallel_loop3A_197 : i32 to index
        %parallel_loop3A_199 = tpu.vector_load %arg7[%parallel_loop3A_198] {strides = array<i32>} : memref<51200xf32, #tpu.memory_space<vmem>>, vector<16xf32>,
        tpu.vector_store %arg7[%parallel_loop3A_198], %parallel_loop3A_191 {strides = array<i32>} : memref<51200xf32, #tpu.memory_space<vmem>>, vector<16xf32>,
        %parallel_loop3A_200 = arith.mulf %parallel_loop3A_190, %parallel_loop3A_76 : vector<16xf32>
        %parallel_loop3A_201 = arith.constant 64 : i32
        %parallel_loop3A_202 = arith.muli %parallel_loop3A_64, %parallel_loop3A_201 : i32
        %parallel_loop3A_203 = arith.constant 12800 : i32
        %parallel_loop3A_204 = arith.addi %parallel_loop3A_203, %parallel_loop3A_202 : i32
        %parallel_loop3A_205 = arith.constant 16 : i32
        %parallel_loop3A_206 = arith.addi %parallel_loop3A_204, %parallel_loop3A_205 : i32
        %parallel_loop3A_207 = arith.index_cast %parallel_loop3A_206 : i32 to index
        %parallel_loop3A_208 = tpu.vector_load %arg7[%parallel_loop3A_207] {strides = array<i32>} : memref<51200xf32, #tpu.memory_space<vmem>>, vector<16xf32>,
        tpu.vector_store %arg7[%parallel_loop3A_207], %parallel_loop3A_200 {strides = array<i32>} : memref<51200xf32, #tpu.memory_space<vmem>>, vector<16xf32>,
        %parallel_loop3A_209 = arith.mulf %parallel_loop3A_190, %parallel_loop3A_82 : vector<16xf32>
        %parallel_loop3A_210 = arith.constant 64 : i32
        %parallel_loop3A_211 = arith.muli %parallel_loop3A_64, %parallel_loop3A_210 : i32
        %parallel_loop3A_212 = arith.constant 12800 : i32
        %parallel_loop3A_213 = arith.addi %parallel_loop3A_212, %parallel_loop3A_211 : i32
        %parallel_loop3A_214 = arith.constant 32 : i32
        %parallel_loop3A_215 = arith.addi %parallel_loop3A_213, %parallel_loop3A_214 : i32
        %parallel_loop3A_216 = arith.index_cast %parallel_loop3A_215 : i32 to index
        %parallel_loop3A_217 = tpu.vector_load %arg7[%parallel_loop3A_216] {strides = array<i32>} : memref<51200xf32, #tpu.memory_space<vmem>>, vector<16xf32>,
        tpu.vector_store %arg7[%parallel_loop3A_216], %parallel_loop3A_209 {strides = array<i32>} : memref<51200xf32, #tpu.memory_space<vmem>>, vector<16xf32>,
        %parallel_loop3A_218 = arith.mulf %parallel_loop3A_190, %parallel_loop3A_88 : vector<16xf32>
        %parallel_loop3A_219 = arith.constant 64 : i32
        %parallel_loop3A_220 = arith.muli %parallel_loop3A_64, %parallel_loop3A_219 : i32
        %parallel_loop3A_221 = arith.constant 12800 : i32
        %parallel_loop3A_222 = arith.addi %parallel_loop3A_221, %parallel_loop3A_220 : i32
        %parallel_loop3A_223 = arith.constant 48 : i32
        %parallel_loop3A_224 = arith.addi %parallel_loop3A_222, %parallel_loop3A_223 : i32
        %parallel_loop3A_225 = arith.index_cast %parallel_loop3A_224 : i32 to index
        %parallel_loop3A_226 = tpu.vector_load %arg7[%parallel_loop3A_225] {strides = array<i32>} : memref<51200xf32, #tpu.memory_space<vmem>>, vector<16xf32>,
        tpu.vector_store %arg7[%parallel_loop3A_225], %parallel_loop3A_218 {strides = array<i32>} : memref<51200xf32, #tpu.memory_space<vmem>>, vector<16xf32>,
        %parallel_loop3A_227 = arith.constant 8 : i32
        %parallel_loop3A_228 = arith.muli %add3A_32, %parallel_loop3A_227 : i32
        %parallel_loop3A_229 = arith.constant 3 : i32
        %parallel_loop3A_230 = arith.addi %parallel_loop3A_228, %parallel_loop3A_229 : i32
        %parallel_loop3A_231 = vector.broadcast %parallel_loop3A_230 : i32 to vector<16xi32>
        %parallel_loop3A_232 = arith.constant 0 : i32
        %parallel_loop3A_233 = vector.broadcast %parallel_loop3A_232 : i32 to vector<16xi32>
        %parallel_loop3A_234 = vector.broadcast %parallel_loop3A_64 : i32 to vector<16xi32>
        %parallel_loop3A_235 = arith.addi %parallel_loop3A_233, %parallel_loop3A_234 : vector<16xi32>
        %parallel_loop3A_236 = tpu.vector_load_idx %arg6[%parallel_loop3A_231, %parallel_loop3A_235] : memref<128x100xf32, #tpu.memory_space<vmem>>[vector<16xi32>, vector<16xi32>], vector<16xf32>,
        %parallel_loop3A_237 = arith.mulf %parallel_loop3A_236, %parallel_loop3A_70 : vector<16xf32>
        %parallel_loop3A_238 = arith.constant 64 : i32
        %parallel_loop3A_239 = arith.muli %parallel_loop3A_64, %parallel_loop3A_238 : i32
        %parallel_loop3A_240 = arith.constant 19200 : i32
        %parallel_loop3A_241 = arith.addi %parallel_loop3A_240, %parallel_loop3A_239 : i32
        %parallel_loop3A_242 = arith.constant 0 : i32
        %parallel_loop3A_243 = arith.addi %parallel_loop3A_241, %parallel_loop3A_242 : i32
        %parallel_loop3A_244 = arith.index_cast %parallel_loop3A_243 : i32 to index
        %parallel_loop3A_245 = tpu.vector_load %arg7[%parallel_loop3A_244] {strides = array<i32>} : memref<51200xf32, #tpu.memory_space<vmem>>, vector<16xf32>,
        tpu.vector_store %arg7[%parallel_loop3A_244], %parallel_loop3A_237 {strides = array<i32>} : memref<51200xf32, #tpu.memory_space<vmem>>, vector<16xf32>,
        %parallel_loop3A_246 = arith.mulf %parallel_loop3A_236, %parallel_loop3A_76 : vector<16xf32>
        %parallel_loop3A_247 = arith.constant 64 : i32
        %parallel_loop3A_248 = arith.muli %parallel_loop3A_64, %parallel_loop3A_247 : i32
        %parallel_loop3A_249 = arith.constant 19200 : i32
        %parallel_loop3A_250 = arith.addi %parallel_loop3A_249, %parallel_loop3A_248 : i32
        %parallel_loop3A_251 = arith.constant 16 : i32
        %parallel_loop3A_252 = arith.addi %parallel_loop3A_250, %parallel_loop3A_251 : i32
        %parallel_loop3A_253 = arith.index_cast %parallel_loop3A_252 : i32 to index
        %parallel_loop3A_254 = tpu.vector_load %arg7[%parallel_loop3A_253] {strides = array<i32>} : memref<51200xf32, #tpu.memory_space<vmem>>, vector<16xf32>,
        tpu.vector_store %arg7[%parallel_loop3A_253], %parallel_loop3A_246 {strides = array<i32>} : memref<51200xf32, #tpu.memory_space<vmem>>, vector<16xf32>,
        %parallel_loop3A_255 = arith.mulf %parallel_loop3A_236, %parallel_loop3A_82 : vector<16xf32>
        %parallel_loop3A_256 = arith.constant 64 : i32
        %parallel_loop3A_257 = arith.muli %parallel_loop3A_64, %parallel_loop3A_256 : i32
        %parallel_loop3A_258 = arith.constant 19200 : i32
        %parallel_loop3A_259 = arith.addi %parallel_loop3A_258, %parallel_loop3A_257 : i32
        %parallel_loop3A_260 = arith.constant 32 : i32
        %parallel_loop3A_261 = arith.addi %parallel_loop3A_259, %parallel_loop3A_260 : i32
        %parallel_loop3A_262 = arith.index_cast %parallel_loop3A_261 : i32 to index
        %parallel_loop3A_263 = tpu.vector_load %arg7[%parallel_loop3A_262] {strides = array<i32>} : memref<51200xf32, #tpu.memory_space<vmem>>, vector<16xf32>,
        tpu.vector_store %arg7[%parallel_loop3A_262], %parallel_loop3A_255 {strides = array<i32>} : memref<51200xf32, #tpu.memory_space<vmem>>, vector<16xf32>,
        %parallel_loop3A_264 = arith.mulf %parallel_loop3A_236, %parallel_loop3A_88 : vector<16xf32>
        %parallel_loop3A_265 = arith.constant 64 : i32
        %parallel_loop3A_266 = arith.muli %parallel_loop3A_64, %parallel_loop3A_265 : i32
        %parallel_loop3A_267 = arith.constant 19200 : i32
        %parallel_loop3A_268 = arith.addi %parallel_loop3A_267, %parallel_loop3A_266 : i32
        %parallel_loop3A_269 = arith.constant 48 : i32
        %parallel_loop3A_270 = arith.addi %parallel_loop3A_268, %parallel_loop3A_269 : i32
        %parallel_loop3A_271 = arith.index_cast %parallel_loop3A_270 : i32 to index
        %parallel_loop3A_272 = tpu.vector_load %arg7[%parallel_loop3A_271] {strides = array<i32>} : memref<51200xf32, #tpu.memory_space<vmem>>, vector<16xf32>,
        tpu.vector_store %arg7[%parallel_loop3A_271], %parallel_loop3A_264 {strides = array<i32>} : memref<51200xf32, #tpu.memory_space<vmem>>, vector<16xf32>,
        %parallel_loop3A_273 = arith.constant 8 : i32
        %parallel_loop3A_274 = arith.muli %add3A_32, %parallel_loop3A_273 : i32
        %parallel_loop3A_275 = arith.constant 4 : i32
        %parallel_loop3A_276 = arith.addi %parallel_loop3A_274, %parallel_loop3A_275 : i32
        %parallel_loop3A_277 = vector.broadcast %parallel_loop3A_276 : i32 to vector<16xi32>
        %parallel_loop3A_278 = arith.constant 0 : i32
        %parallel_loop3A_279 = vector.broadcast %parallel_loop3A_278 : i32 to vector<16xi32>
        %parallel_loop3A_280 = vector.broadcast %parallel_loop3A_64 : i32 to vector<16xi32>
        %parallel_loop3A_281 = arith.addi %parallel_loop3A_279, %parallel_loop3A_280 : vector<16xi32>
        %parallel_loop3A_282 = tpu.vector_load_idx %arg6[%parallel_loop3A_277, %parallel_loop3A_281] : memref<128x100xf32, #tpu.memory_space<vmem>>[vector<16xi32>, vector<16xi32>], vector<16xf32>,
        %parallel_loop3A_283 = arith.mulf %parallel_loop3A_282, %parallel_loop3A_70 : vector<16xf32>
        %parallel_loop3A_284 = arith.constant 64 : i32
        %parallel_loop3A_285 = arith.muli %parallel_loop3A_64, %parallel_loop3A_284 : i32
        %parallel_loop3A_286 = arith.constant 25600 : i32
        %parallel_loop3A_287 = arith.addi %parallel_loop3A_286, %parallel_loop3A_285 : i32
        %parallel_loop3A_288 = arith.constant 0 : i32
        %parallel_loop3A_289 = arith.addi %parallel_loop3A_287, %parallel_loop3A_288 : i32
        %parallel_loop3A_290 = arith.index_cast %parallel_loop3A_289 : i32 to index
        %parallel_loop3A_291 = tpu.vector_load %arg7[%parallel_loop3A_290] {strides = array<i32>} : memref<51200xf32, #tpu.memory_space<vmem>>, vector<16xf32>,
        tpu.vector_store %arg7[%parallel_loop3A_290], %parallel_loop3A_283 {strides = array<i32>} : memref<51200xf32, #tpu.memory_space<vmem>>, vector<16xf32>,
        %parallel_loop3A_292 = arith.mulf %parallel_loop3A_282, %parallel_loop3A_76 : vector<16xf32>
        %parallel_loop3A_293 = arith.constant 64 : i32
        %parallel_loop3A_294 = arith.muli %parallel_loop3A_64, %parallel_loop3A_293 : i32
        %parallel_loop3A_295 = arith.constant 25600 : i32
        %parallel_loop3A_296 = arith.addi %parallel_loop3A_295, %parallel_loop3A_294 : i32
        %parallel_loop3A_297 = arith.constant 16 : i32
        %parallel_loop3A_298 = arith.addi %parallel_loop3A_296, %parallel_loop3A_297 : i32
        %parallel_loop3A_299 = arith.index_cast %parallel_loop3A_298 : i32 to index
        %parallel_loop3A_300 = tpu.vector_load %arg7[%parallel_loop3A_299] {strides = array<i32>} : memref<51200xf32, #tpu.memory_space<vmem>>, vector<16xf32>,
        tpu.vector_store %arg7[%parallel_loop3A_299], %parallel_loop3A_292 {strides = array<i32>} : memref<51200xf32, #tpu.memory_space<vmem>>, vector<16xf32>,
        %parallel_loop3A_301 = arith.mulf %parallel_loop3A_282, %parallel_loop3A_82 : vector<16xf32>
        %parallel_loop3A_302 = arith.constant 64 : i32
        %parallel_loop3A_303 = arith.muli %parallel_loop3A_64, %parallel_loop3A_302 : i32
        %parallel_loop3A_304 = arith.constant 25600 : i32
        %parallel_loop3A_305 = arith.addi %parallel_loop3A_304, %parallel_loop3A_303 : i32
        %parallel_loop3A_306 = arith.constant 32 : i32
        %parallel_loop3A_307 = arith.addi %parallel_loop3A_305, %parallel_loop3A_306 : i32
        %parallel_loop3A_308 = arith.index_cast %parallel_loop3A_307 : i32 to index
        %parallel_loop3A_309 = tpu.vector_load %arg7[%parallel_loop3A_308] {strides = array<i32>} : memref<51200xf32, #tpu.memory_space<vmem>>, vector<16xf32>,
        tpu.vector_store %arg7[%parallel_loop3A_308], %parallel_loop3A_301 {strides = array<i32>} : memref<51200xf32, #tpu.memory_space<vmem>>, vector<16xf32>,
        %parallel_loop3A_310 = arith.mulf %parallel_loop3A_282, %parallel_loop3A_88 : vector<16xf32>
        %parallel_loop3A_311 = arith.constant 64 : i32
        %parallel_loop3A_312 = arith.muli %parallel_loop3A_64, %parallel_loop3A_311 : i32
        %parallel_loop3A_313 = arith.constant 25600 : i32
        %parallel_loop3A_314 = arith.addi %parallel_loop3A_313, %parallel_loop3A_312 : i32
        %parallel_loop3A_315 = arith.constant 48 : i32
        %parallel_loop3A_316 = arith.addi %parallel_loop3A_314, %parallel_loop3A_315 : i32
        %parallel_loop3A_317 = arith.index_cast %parallel_loop3A_316 : i32 to index
        %parallel_loop3A_318 = tpu.vector_load %arg7[%parallel_loop3A_317] {strides = array<i32>} : memref<51200xf32, #tpu.memory_space<vmem>>, vector<16xf32>,
        tpu.vector_store %arg7[%parallel_loop3A_317], %parallel_loop3A_310 {strides = array<i32>} : memref<51200xf32, #tpu.memory_space<vmem>>, vector<16xf32>,
        %parallel_loop3A_319 = arith.constant 8 : i32
        %parallel_loop3A_320 = arith.muli %add3A_32, %parallel_loop3A_319 : i32
        %parallel_loop3A_321 = arith.constant 5 : i32
        %parallel_loop3A_322 = arith.addi %parallel_loop3A_320, %parallel_loop3A_321 : i32
        %parallel_loop3A_323 = vector.broadcast %parallel_loop3A_322 : i32 to vector<16xi32>
        %parallel_loop3A_324 = arith.constant 0 : i32
        %parallel_loop3A_325 = vector.broadcast %parallel_loop3A_324 : i32 to vector<16xi32>
        %parallel_loop3A_326 = vector.broadcast %parallel_loop3A_64 : i32 to vector<16xi32>
        %parallel_loop3A_327 = arith.addi %parallel_loop3A_325, %parallel_loop3A_326 : vector<16xi32>
        %parallel_loop3A_328 = tpu.vector_load_idx %arg6[%parallel_loop3A_323, %parallel_loop3A_327] : memref<128x100xf32, #tpu.memory_space<vmem>>[vector<16xi32>, vector<16xi32>], vector<16xf32>,
        %parallel_loop3A_329 = arith.mulf %parallel_loop3A_328, %parallel_loop3A_70 : vector<16xf32>
        %parallel_loop3A_330 = arith.constant 64 : i32
        %parallel_loop3A_331 = arith.muli %parallel_loop3A_64, %parallel_loop3A_330 : i32
        %parallel_loop3A_332 = arith.constant 32000 : i32
        %parallel_loop3A_333 = arith.addi %parallel_loop3A_332, %parallel_loop3A_331 : i32
        %parallel_loop3A_334 = arith.constant 0 : i32
        %parallel_loop3A_335 = arith.addi %parallel_loop3A_333, %parallel_loop3A_334 : i32
        %parallel_loop3A_336 = arith.index_cast %parallel_loop3A_335 : i32 to index
        %parallel_loop3A_337 = tpu.vector_load %arg7[%parallel_loop3A_336] {strides = array<i32>} : memref<51200xf32, #tpu.memory_space<vmem>>, vector<16xf32>,
        tpu.vector_store %arg7[%parallel_loop3A_336], %parallel_loop3A_329 {strides = array<i32>} : memref<51200xf32, #tpu.memory_space<vmem>>, vector<16xf32>,
        %parallel_loop3A_338 = arith.mulf %parallel_loop3A_328, %parallel_loop3A_76 : vector<16xf32>
        %parallel_loop3A_339 = arith.constant 64 : i32
        %parallel_loop3A_340 = arith.muli %parallel_loop3A_64, %parallel_loop3A_339 : i32
        %parallel_loop3A_341 = arith.constant 32000 : i32
        %parallel_loop3A_342 = arith.addi %parallel_loop3A_341, %parallel_loop3A_340 : i32
        %parallel_loop3A_343 = arith.constant 16 : i32
        %parallel_loop3A_344 = arith.addi %parallel_loop3A_342, %parallel_loop3A_343 : i32
        %parallel_loop3A_345 = arith.index_cast %parallel_loop3A_344 : i32 to index
        %parallel_loop3A_346 = tpu.vector_load %arg7[%parallel_loop3A_345] {strides = array<i32>} : memref<51200xf32, #tpu.memory_space<vmem>>, vector<16xf32>,
        tpu.vector_store %arg7[%parallel_loop3A_345], %parallel_loop3A_338 {strides = array<i32>} : memref<51200xf32, #tpu.memory_space<vmem>>, vector<16xf32>,
        %parallel_loop3A_347 = arith.mulf %parallel_loop3A_328, %parallel_loop3A_82 : vector<16xf32>
        %parallel_loop3A_348 = arith.constant 64 : i32
        %parallel_loop3A_349 = arith.muli %parallel_loop3A_64, %parallel_loop3A_348 : i32
        %parallel_loop3A_350 = arith.constant 32000 : i32
        %parallel_loop3A_351 = arith.addi %parallel_loop3A_350, %parallel_loop3A_349 : i32
        %parallel_loop3A_352 = arith.constant 32 : i32
        %parallel_loop3A_353 = arith.addi %parallel_loop3A_351, %parallel_loop3A_352 : i32
        %parallel_loop3A_354 = arith.index_cast %parallel_loop3A_353 : i32 to index
        %parallel_loop3A_355 = tpu.vector_load %arg7[%parallel_loop3A_354] {strides = array<i32>} : memref<51200xf32, #tpu.memory_space<vmem>>, vector<16xf32>,
        tpu.vector_store %arg7[%parallel_loop3A_354], %parallel_loop3A_347 {strides = array<i32>} : memref<51200xf32, #tpu.memory_space<vmem>>, vector<16xf32>,
        %parallel_loop3A_356 = arith.mulf %parallel_loop3A_328, %parallel_loop3A_88 : vector<16xf32>
        %parallel_loop3A_357 = arith.constant 64 : i32
        %parallel_loop3A_358 = arith.muli %parallel_loop3A_64, %parallel_loop3A_357 : i32
        %parallel_loop3A_359 = arith.constant 32000 : i32
        %parallel_loop3A_360 = arith.addi %parallel_loop3A_359, %parallel_loop3A_358 : i32
        %parallel_loop3A_361 = arith.constant 48 : i32
        %parallel_loop3A_362 = arith.addi %parallel_loop3A_360, %parallel_loop3A_361 : i32
        %parallel_loop3A_363 = arith.index_cast %parallel_loop3A_362 : i32 to index
        %parallel_loop3A_364 = tpu.vector_load %arg7[%parallel_loop3A_363] {strides = array<i32>} : memref<51200xf32, #tpu.memory_space<vmem>>, vector<16xf32>,
        tpu.vector_store %arg7[%parallel_loop3A_363], %parallel_loop3A_356 {strides = array<i32>} : memref<51200xf32, #tpu.memory_space<vmem>>, vector<16xf32>,
        %parallel_loop3A_365 = arith.constant 8 : i32
        %parallel_loop3A_366 = arith.muli %add3A_32, %parallel_loop3A_365 : i32
        %parallel_loop3A_367 = arith.constant 6 : i32
        %parallel_loop3A_368 = arith.addi %parallel_loop3A_366, %parallel_loop3A_367 : i32
        %parallel_loop3A_369 = vector.broadcast %parallel_loop3A_368 : i32 to vector<16xi32>
        %parallel_loop3A_370 = arith.constant 0 : i32
        %parallel_loop3A_371 = vector.broadcast %parallel_loop3A_370 : i32 to vector<16xi32>
        %parallel_loop3A_372 = vector.broadcast %parallel_loop3A_64 : i32 to vector<16xi32>
        %parallel_loop3A_373 = arith.addi %parallel_loop3A_371, %parallel_loop3A_372 : vector<16xi32>
        %parallel_loop3A_374 = tpu.vector_load_idx %arg6[%parallel_loop3A_369, %parallel_loop3A_373] : memref<128x100xf32, #tpu.memory_space<vmem>>[vector<16xi32>, vector<16xi32>], vector<16xf32>,
        %parallel_loop3A_375 = arith.mulf %parallel_loop3A_374, %parallel_loop3A_70 : vector<16xf32>
        %parallel_loop3A_376 = arith.constant 64 : i32
        %parallel_loop3A_377 = arith.muli %parallel_loop3A_64, %parallel_loop3A_376 : i32
        %parallel_loop3A_378 = arith.constant 38400 : i32
        %parallel_loop3A_379 = arith.addi %parallel_loop3A_378, %parallel_loop3A_377 : i32
        %parallel_loop3A_380 = arith.constant 0 : i32
        %parallel_loop3A_381 = arith.addi %parallel_loop3A_379, %parallel_loop3A_380 : i32
        %parallel_loop3A_382 = arith.index_cast %parallel_loop3A_381 : i32 to index
        %parallel_loop3A_383 = tpu.vector_load %arg7[%parallel_loop3A_382] {strides = array<i32>} : memref<51200xf32, #tpu.memory_space<vmem>>, vector<16xf32>,
        tpu.vector_store %arg7[%parallel_loop3A_382], %parallel_loop3A_375 {strides = array<i32>} : memref<51200xf32, #tpu.memory_space<vmem>>, vector<16xf32>,
        %parallel_loop3A_384 = arith.mulf %parallel_loop3A_374, %parallel_loop3A_76 : vector<16xf32>
        %parallel_loop3A_385 = arith.constant 64 : i32
        %parallel_loop3A_386 = arith.muli %parallel_loop3A_64, %parallel_loop3A_385 : i32
        %parallel_loop3A_387 = arith.constant 38400 : i32
        %parallel_loop3A_388 = arith.addi %parallel_loop3A_387, %parallel_loop3A_386 : i32
        %parallel_loop3A_389 = arith.constant 16 : i32
        %parallel_loop3A_390 = arith.addi %parallel_loop3A_388, %parallel_loop3A_389 : i32
        %parallel_loop3A_391 = arith.index_cast %parallel_loop3A_390 : i32 to index
        %parallel_loop3A_392 = tpu.vector_load %arg7[%parallel_loop3A_391] {strides = array<i32>} : memref<51200xf32, #tpu.memory_space<vmem>>, vector<16xf32>,
        tpu.vector_store %arg7[%parallel_loop3A_391], %parallel_loop3A_384 {strides = array<i32>} : memref<51200xf32, #tpu.memory_space<vmem>>, vector<16xf32>,
        %parallel_loop3A_393 = arith.mulf %parallel_loop3A_374, %parallel_loop3A_82 : vector<16xf32>
        %parallel_loop3A_394 = arith.constant 64 : i32
        %parallel_loop3A_395 = arith.muli %parallel_loop3A_64, %parallel_loop3A_394 : i32
        %parallel_loop3A_396 = arith.constant 38400 : i32
        %parallel_loop3A_397 = arith.addi %parallel_loop3A_396, %parallel_loop3A_395 : i32
        %parallel_loop3A_398 = arith.constant 32 : i32
        %parallel_loop3A_399 = arith.addi %parallel_loop3A_397, %parallel_loop3A_398 : i32
        %parallel_loop3A_400 = arith.index_cast %parallel_loop3A_399 : i32 to index
        %parallel_loop3A_401 = tpu.vector_load %arg7[%parallel_loop3A_400] {strides = array<i32>} : memref<51200xf32, #tpu.memory_space<vmem>>, vector<16xf32>,
        tpu.vector_store %arg7[%parallel_loop3A_400], %parallel_loop3A_393 {strides = array<i32>} : memref<51200xf32, #tpu.memory_space<vmem>>, vector<16xf32>,
        %parallel_loop3A_402 = arith.mulf %parallel_loop3A_374, %parallel_loop3A_88 : vector<16xf32>
        %parallel_loop3A_403 = arith.constant 64 : i32
        %parallel_loop3A_404 = arith.muli %parallel_loop3A_64, %parallel_loop3A_403 : i32
        %parallel_loop3A_405 = arith.constant 38400 : i32
        %parallel_loop3A_406 = arith.addi %parallel_loop3A_405, %parallel_loop3A_404 : i32
        %parallel_loop3A_407 = arith.constant 48 : i32
        %parallel_loop3A_408 = arith.addi %parallel_loop3A_406, %parallel_loop3A_407 : i32
        %parallel_loop3A_409 = arith.index_cast %parallel_loop3A_408 : i32 to index
        %parallel_loop3A_410 = tpu.vector_load %arg7[%parallel_loop3A_409] {strides = array<i32>} : memref<51200xf32, #tpu.memory_space<vmem>>, vector<16xf32>,
        tpu.vector_store %arg7[%parallel_loop3A_409], %parallel_loop3A_402 {strides = array<i32>} : memref<51200xf32, #tpu.memory_space<vmem>>, vector<16xf32>,
        %parallel_loop3A_411 = arith.constant 8 : i32
        %parallel_loop3A_412 = arith.muli %add3A_32, %parallel_loop3A_411 : i32
        %parallel_loop3A_413 = arith.constant 7 : i32
        %parallel_loop3A_414 = arith.addi %parallel_loop3A_412, %parallel_loop3A_413 : i32
        %parallel_loop3A_415 = vector.broadcast %parallel_loop3A_414 : i32 to vector<16xi32>
        %parallel_loop3A_416 = arith.constant 0 : i32
        %parallel_loop3A_417 = vector.broadcast %parallel_loop3A_416 : i32 to vector<16xi32>
        %parallel_loop3A_418 = vector.broadcast %parallel_loop3A_64 : i32 to vector<16xi32>
        %parallel_loop3A_419 = arith.addi %parallel_loop3A_417, %parallel_loop3A_418 : vector<16xi32>
        %parallel_loop3A_420 = tpu.vector_load_idx %arg6[%parallel_loop3A_415, %parallel_loop3A_419] : memref<128x100xf32, #tpu.memory_space<vmem>>[vector<16xi32>, vector<16xi32>], vector<16xf32>,
        %parallel_loop3A_421 = arith.mulf %parallel_loop3A_420, %parallel_loop3A_70 : vector<16xf32>
        %parallel_loop3A_422 = arith.constant 64 : i32
        %parallel_loop3A_423 = arith.muli %parallel_loop3A_64, %parallel_loop3A_422 : i32
        %parallel_loop3A_424 = arith.constant 44800 : i32
        %parallel_loop3A_425 = arith.addi %parallel_loop3A_424, %parallel_loop3A_423 : i32
        %parallel_loop3A_426 = arith.constant 0 : i32
        %parallel_loop3A_427 = arith.addi %parallel_loop3A_425, %parallel_loop3A_426 : i32
        %parallel_loop3A_428 = arith.index_cast %parallel_loop3A_427 : i32 to index
        %parallel_loop3A_429 = tpu.vector_load %arg7[%parallel_loop3A_428] {strides = array<i32>} : memref<51200xf32, #tpu.memory_space<vmem>>, vector<16xf32>,
        tpu.vector_store %arg7[%parallel_loop3A_428], %parallel_loop3A_421 {strides = array<i32>} : memref<51200xf32, #tpu.memory_space<vmem>>, vector<16xf32>,
        %parallel_loop3A_430 = arith.mulf %parallel_loop3A_420, %parallel_loop3A_76 : vector<16xf32>
        %parallel_loop3A_431 = arith.constant 64 : i32
        %parallel_loop3A_432 = arith.muli %parallel_loop3A_64, %parallel_loop3A_431 : i32
        %parallel_loop3A_433 = arith.constant 44800 : i32
        %parallel_loop3A_434 = arith.addi %parallel_loop3A_433, %parallel_loop3A_432 : i32
        %parallel_loop3A_435 = arith.constant 16 : i32
        %parallel_loop3A_436 = arith.addi %parallel_loop3A_434, %parallel_loop3A_435 : i32
        %parallel_loop3A_437 = arith.index_cast %parallel_loop3A_436 : i32 to index
        %parallel_loop3A_438 = tpu.vector_load %arg7[%parallel_loop3A_437] {strides = array<i32>} : memref<51200xf32, #tpu.memory_space<vmem>>, vector<16xf32>,
        tpu.vector_store %arg7[%parallel_loop3A_437], %parallel_loop3A_430 {strides = array<i32>} : memref<51200xf32, #tpu.memory_space<vmem>>, vector<16xf32>,
        %parallel_loop3A_439 = arith.mulf %parallel_loop3A_420, %parallel_loop3A_82 : vector<16xf32>
        %parallel_loop3A_440 = arith.constant 64 : i32
        %parallel_loop3A_441 = arith.muli %parallel_loop3A_64, %parallel_loop3A_440 : i32
        %parallel_loop3A_442 = arith.constant 44800 : i32
        %parallel_loop3A_443 = arith.addi %parallel_loop3A_442, %parallel_loop3A_441 : i32
        %parallel_loop3A_444 = arith.constant 32 : i32
        %parallel_loop3A_445 = arith.addi %parallel_loop3A_443, %parallel_loop3A_444 : i32
        %parallel_loop3A_446 = arith.index_cast %parallel_loop3A_445 : i32 to index
        %parallel_loop3A_447 = tpu.vector_load %arg7[%parallel_loop3A_446] {strides = array<i32>} : memref<51200xf32, #tpu.memory_space<vmem>>, vector<16xf32>,
        tpu.vector_store %arg7[%parallel_loop3A_446], %parallel_loop3A_439 {strides = array<i32>} : memref<51200xf32, #tpu.memory_space<vmem>>, vector<16xf32>,
        %parallel_loop3A_448 = arith.mulf %parallel_loop3A_420, %parallel_loop3A_88 : vector<16xf32>
        %parallel_loop3A_449 = arith.constant 64 : i32
        %parallel_loop3A_450 = arith.muli %parallel_loop3A_64, %parallel_loop3A_449 : i32
        %parallel_loop3A_451 = arith.constant 44800 : i32
        %parallel_loop3A_452 = arith.addi %parallel_loop3A_451, %parallel_loop3A_450 : i32
        %parallel_loop3A_453 = arith.constant 48 : i32
        %parallel_loop3A_454 = arith.addi %parallel_loop3A_452, %parallel_loop3A_453 : i32
        %parallel_loop3A_455 = arith.index_cast %parallel_loop3A_454 : i32 to index
        %parallel_loop3A_456 = tpu.vector_load %arg7[%parallel_loop3A_455] {strides = array<i32>} : memref<51200xf32, #tpu.memory_space<vmem>>, vector<16xf32>,
        tpu.vector_store %arg7[%parallel_loop3A_455], %parallel_loop3A_448 {strides = array<i32>} : memref<51200xf32, #tpu.memory_space<vmem>>, vector<16xf32>,
      } {sc.loop_unroll_factor = 1 : i64, sc.parallel_access}
      %add3A_35 = arith.constant 0 : i32
      %add3A_36 = arith.addi %add3A_26, %add3A_35 : i32
      %mul3A_37 = arith.constant 8 : i32
      %mul3A_38 = arith.muli %add3A_36, %mul3A_37 : i32
      %add3A_39 = arith.addi %mul3A_2, %mul3A_38 : i32
      %mul3A_40 = arith.constant 6400 : i32
      %mul3A_41 = arith.muli %add3A_39, %mul3A_40 : i32
      %dma_start3A = tpu.memref_slice %arg4[%mul3A_41] : memref<26214400xf32, #tpu.memory_space<hbm>> -> memref<51200xf32, #tpu.memory_space<hbm>>
      %dma_start3A_42 = tpu.memref_slice %arg4[%mul3A_41] : memref<26214400xf32, #tpu.memory_space<hbm>> -> memref<51200xf32, #tpu.memory_space<hbm>>
      tpu.enqueue_dma source(%arg7 : memref<51200xf32, #tpu.memory_space<vmem>>) target(%dma_start3A_42 : memref<51200xf32, #tpu.memory_space<hbm>>) target_semaphore(%arg9 : memref<!tpu.dma_semaphore, #tpu.memory_space<semaphore_mem>>)
      %add3A_43 = arith.constant 1 : i32
      %add3A_44 = arith.addi %add3A_26, %add3A_43 : i32
      %ge3A_45 = arith.constant 2 : i32
      %ge3A_46 = arith.cmpi sge, %add3A_44, %ge3A_45 : i32
      %convert_element_type3A_47 = arith.extui %ge3A_46 : i1 to i32
      %cond3A_48 = arith.constant 0 : i32
      %cond3A_49 = arith.cmpi ne, %convert_element_type3A_47, %cond3A_48 : i32
      scf.if %cond3A_49 {
        %add3A_64 = arith.constant 1 : i32
        %add3A_65 = arith.addi %add3A_26, %add3A_64 : i32
        %sub3A = arith.constant 2 : i32
        %sub3A_66 = arith.subi %add3A_65, %sub3A : i32
        %mul3A_67 = arith.constant 8 : i32
        %mul3A_68 = arith.muli %sub3A_66, %mul3A_67 : i32
        %add3A_69 = arith.addi %mul3A_2, %mul3A_68 : i32
        %mul3A_70 = arith.constant 6400 : i32
        %mul3A_71 = arith.muli %add3A_69, %mul3A_70 : i32
        %dma_wait3A_72 = tpu.memref_slice %arg4[%mul3A_71] : memref<26214400xf32, #tpu.memory_space<hbm>> -> memref<51200xf32, #tpu.memory_space<hbm>>
        %dma_wait3A_73 = tpu.memref_slice %arg4[%mul3A_71] : memref<26214400xf32, #tpu.memory_space<hbm>> -> memref<51200xf32, #tpu.memory_space<hbm>>
        tpu.wait_dma2 semaphore(%arg10 : memref<!tpu.dma_semaphore, #tpu.memory_space<semaphore_mem>>) src(%arg8 : memref<51200xf32, #tpu.memory_space<vmem>>) dst(%dma_wait3A_73 : memref<51200xf32, #tpu.memory_space<hbm>>)
      } else {
      }
      %add3A_50 = arith.constant 1 : i32
      %add3A_51 = arith.addi %add3A_26, %add3A_50 : i32
      %parallel_loop3A_52 = arith.constant 0 : i32
      %parallel_loop3A_53 = arith.constant 100 : i32
      %parallel_loop3A_54 = arith.constant 1 : i32
      scf.for %parallel_loop3A_64 = %parallel_loop3A_52 to %parallel_loop3A_53 step %parallel_loop3A_54  : i32 {
        %parallel_loop3A_65 = arith.constant 64 : i32
        %parallel_loop3A_66 = arith.muli %parallel_loop3A_64, %parallel_loop3A_65 : i32
        %parallel_loop3A_67 = arith.constant 0 : i32
        %parallel_loop3A_68 = arith.addi %parallel_loop3A_66, %parallel_loop3A_67 : i32
        %parallel_loop3A_69 = arith.index_cast %parallel_loop3A_68 : i32 to index
        %parallel_loop3A_70 = tpu.vector_load %arg5[%parallel_loop3A_69] {strides = array<i32>} : memref<6400xf32, #tpu.memory_space<vmem>>, vector<16xf32>,
        %parallel_loop3A_71 = arith.constant 64 : i32
        %parallel_loop3A_72 = arith.muli %parallel_loop3A_64, %parallel_loop3A_71 : i32
        %parallel_loop3A_73 = arith.constant 16 : i32
        %parallel_loop3A_74 = arith.addi %parallel_loop3A_72, %parallel_loop3A_73 : i32
        %parallel_loop3A_75 = arith.index_cast %parallel_loop3A_74 : i32 to index
        %parallel_loop3A_76 = tpu.vector_load %arg5[%parallel_loop3A_75] {strides = array<i32>} : memref<6400xf32, #tpu.memory_space<vmem>>, vector<16xf32>,
        %parallel_loop3A_77 = arith.constant 64 : i32
        %parallel_loop3A_78 = arith.muli %parallel_loop3A_64, %parallel_loop3A_77 : i32
        %parallel_loop3A_79 = arith.constant 32 : i32
        %parallel_loop3A_80 = arith.addi %parallel_loop3A_78, %parallel_loop3A_79 : i32
        %parallel_loop3A_81 = arith.index_cast %parallel_loop3A_80 : i32 to index
        %parallel_loop3A_82 = tpu.vector_load %arg5[%parallel_loop3A_81] {strides = array<i32>} : memref<6400xf32, #tpu.memory_space<vmem>>, vector<16xf32>,
        %parallel_loop3A_83 = arith.constant 64 : i32
        %parallel_loop3A_84 = arith.muli %parallel_loop3A_64, %parallel_loop3A_83 : i32
        %parallel_loop3A_85 = arith.constant 48 : i32
        %parallel_loop3A_86 = arith.addi %parallel_loop3A_84, %parallel_loop3A_85 : i32
        %parallel_loop3A_87 = arith.index_cast %parallel_loop3A_86 : i32 to index
        %parallel_loop3A_88 = tpu.vector_load %arg5[%parallel_loop3A_87] {strides = array<i32>} : memref<6400xf32, #tpu.memory_space<vmem>>, vector<16xf32>,
        %parallel_loop3A_89 = arith.constant 8 : i32
        %parallel_loop3A_90 = arith.muli %add3A_51, %parallel_loop3A_89 : i32
        %parallel_loop3A_91 = arith.constant 0 : i32
        %parallel_loop3A_92 = arith.addi %parallel_loop3A_90, %parallel_loop3A_91 : i32
        %parallel_loop3A_93 = vector.broadcast %parallel_loop3A_92 : i32 to vector<16xi32>
        %parallel_loop3A_94 = arith.constant 0 : i32
        %parallel_loop3A_95 = vector.broadcast %parallel_loop3A_94 : i32 to vector<16xi32>
        %parallel_loop3A_96 = vector.broadcast %parallel_loop3A_64 : i32 to vector<16xi32>
        %parallel_loop3A_97 = arith.addi %parallel_loop3A_95, %parallel_loop3A_96 : vector<16xi32>
        %parallel_loop3A_98 = tpu.vector_load_idx %arg6[%parallel_loop3A_93, %parallel_loop3A_97] : memref<128x100xf32, #tpu.memory_space<vmem>>[vector<16xi32>, vector<16xi32>], vector<16xf32>,
        %parallel_loop3A_99 = arith.mulf %parallel_loop3A_98, %parallel_loop3A_70 : vector<16xf32>
        %parallel_loop3A_100 = arith.constant 64 : i32
        %parallel_loop3A_101 = arith.muli %parallel_loop3A_64, %parallel_loop3A_100 : i32
        %parallel_loop3A_102 = arith.constant 0 : i32
        %parallel_loop3A_103 = arith.addi %parallel_loop3A_102, %parallel_loop3A_101 : i32
        %parallel_loop3A_104 = arith.constant 0 : i32
        %parallel_loop3A_105 = arith.addi %parallel_loop3A_103, %parallel_loop3A_104 : i32
        %parallel_loop3A_106 = arith.index_cast %parallel_loop3A_105 : i32 to index
        %parallel_loop3A_107 = tpu.vector_load %arg8[%parallel_loop3A_106] {strides = array<i32>} : memref<51200xf32, #tpu.memory_space<vmem>>, vector<16xf32>,
        tpu.vector_store %arg8[%parallel_loop3A_106], %parallel_loop3A_99 {strides = array<i32>} : memref<51200xf32, #tpu.memory_space<vmem>>, vector<16xf32>,
        %parallel_loop3A_108 = arith.mulf %parallel_loop3A_98, %parallel_loop3A_76 : vector<16xf32>
        %parallel_loop3A_109 = arith.constant 64 : i32
        %parallel_loop3A_110 = arith.muli %parallel_loop3A_64, %parallel_loop3A_109 : i32
        %parallel_loop3A_111 = arith.constant 0 : i32
        %parallel_loop3A_112 = arith.addi %parallel_loop3A_111, %parallel_loop3A_110 : i32
        %parallel_loop3A_113 = arith.constant 16 : i32
        %parallel_loop3A_114 = arith.addi %parallel_loop3A_112, %parallel_loop3A_113 : i32
        %parallel_loop3A_115 = arith.index_cast %parallel_loop3A_114 : i32 to index
        %parallel_loop3A_116 = tpu.vector_load %arg8[%parallel_loop3A_115] {strides = array<i32>} : memref<51200xf32, #tpu.memory_space<vmem>>, vector<16xf32>,
        tpu.vector_store %arg8[%parallel_loop3A_115], %parallel_loop3A_108 {strides = array<i32>} : memref<51200xf32, #tpu.memory_space<vmem>>, vector<16xf32>,
        %parallel_loop3A_117 = arith.mulf %parallel_loop3A_98, %parallel_loop3A_82 : vector<16xf32>
        %parallel_loop3A_118 = arith.constant 64 : i32
        %parallel_loop3A_119 = arith.muli %parallel_loop3A_64, %parallel_loop3A_118 : i32
        %parallel_loop3A_120 = arith.constant 0 : i32
        %parallel_loop3A_121 = arith.addi %parallel_loop3A_120, %parallel_loop3A_119 : i32
        %parallel_loop3A_122 = arith.constant 32 : i32
        %parallel_loop3A_123 = arith.addi %parallel_loop3A_121, %parallel_loop3A_122 : i32
        %parallel_loop3A_124 = arith.index_cast %parallel_loop3A_123 : i32 to index
        %parallel_loop3A_125 = tpu.vector_load %arg8[%parallel_loop3A_124] {strides = array<i32>} : memref<51200xf32, #tpu.memory_space<vmem>>, vector<16xf32>,
        tpu.vector_store %arg8[%parallel_loop3A_124], %parallel_loop3A_117 {strides = array<i32>} : memref<51200xf32, #tpu.memory_space<vmem>>, vector<16xf32>,
        %parallel_loop3A_126 = arith.mulf %parallel_loop3A_98, %parallel_loop3A_88 : vector<16xf32>
        %parallel_loop3A_127 = arith.constant 64 : i32
        %parallel_loop3A_128 = arith.muli %parallel_loop3A_64, %parallel_loop3A_127 : i32
        %parallel_loop3A_129 = arith.constant 0 : i32
        %parallel_loop3A_130 = arith.addi %parallel_loop3A_129, %parallel_loop3A_128 : i32
        %parallel_loop3A_131 = arith.constant 48 : i32
        %parallel_loop3A_132 = arith.addi %parallel_loop3A_130, %parallel_loop3A_131 : i32
        %parallel_loop3A_133 = arith.index_cast %parallel_loop3A_132 : i32 to index
        %parallel_loop3A_134 = tpu.vector_load %arg8[%parallel_loop3A_133] {strides = array<i32>} : memref<51200xf32, #tpu.memory_space<vmem>>, vector<16xf32>,
        tpu.vector_store %arg8[%parallel_loop3A_133], %parallel_loop3A_126 {strides = array<i32>} : memref<51200xf32, #tpu.memory_space<vmem>>, vector<16xf32>,
        %parallel_loop3A_135 = arith.constant 8 : i32
        %parallel_loop3A_136 = arith.muli %add3A_51, %parallel_loop3A_135 : i32
        %parallel_loop3A_137 = arith.constant 1 : i32
        %parallel_loop3A_138 = arith.addi %parallel_loop3A_136, %parallel_loop3A_137 : i32
        %parallel_loop3A_139 = vector.broadcast %parallel_loop3A_138 : i32 to vector<16xi32>
        %parallel_loop3A_140 = arith.constant 0 : i32
        %parallel_loop3A_141 = vector.broadcast %parallel_loop3A_140 : i32 to vector<16xi32>
        %parallel_loop3A_142 = vector.broadcast %parallel_loop3A_64 : i32 to vector<16xi32>
        %parallel_loop3A_143 = arith.addi %parallel_loop3A_141, %parallel_loop3A_142 : vector<16xi32>
        %parallel_loop3A_144 = tpu.vector_load_idx %arg6[%parallel_loop3A_139, %parallel_loop3A_143] : memref<128x100xf32, #tpu.memory_space<vmem>>[vector<16xi32>, vector<16xi32>], vector<16xf32>,
        %parallel_loop3A_145 = arith.mulf %parallel_loop3A_144, %parallel_loop3A_70 : vector<16xf32>
        %parallel_loop3A_146 = arith.constant 64 : i32
        %parallel_loop3A_147 = arith.muli %parallel_loop3A_64, %parallel_loop3A_146 : i32
        %parallel_loop3A_148 = arith.constant 6400 : i32
        %parallel_loop3A_149 = arith.addi %parallel_loop3A_148, %parallel_loop3A_147 : i32
        %parallel_loop3A_150 = arith.constant 0 : i32
        %parallel_loop3A_151 = arith.addi %parallel_loop3A_149, %parallel_loop3A_150 : i32
        %parallel_loop3A_152 = arith.index_cast %parallel_loop3A_151 : i32 to index
        %parallel_loop3A_153 = tpu.vector_load %arg8[%parallel_loop3A_152] {strides = array<i32>} : memref<51200xf32, #tpu.memory_space<vmem>>, vector<16xf32>,
        tpu.vector_store %arg8[%parallel_loop3A_152], %parallel_loop3A_145 {strides = array<i32>} : memref<51200xf32, #tpu.memory_space<vmem>>, vector<16xf32>,
        %parallel_loop3A_154 = arith.mulf %parallel_loop3A_144, %parallel_loop3A_76 : vector<16xf32>
        %parallel_loop3A_155 = arith.constant 64 : i32
        %parallel_loop3A_156 = arith.muli %parallel_loop3A_64, %parallel_loop3A_155 : i32
        %parallel_loop3A_157 = arith.constant 6400 : i32
        %parallel_loop3A_158 = arith.addi %parallel_loop3A_157, %parallel_loop3A_156 : i32
        %parallel_loop3A_159 = arith.constant 16 : i32
        %parallel_loop3A_160 = arith.addi %parallel_loop3A_158, %parallel_loop3A_159 : i32
        %parallel_loop3A_161 = arith.index_cast %parallel_loop3A_160 : i32 to index
        %parallel_loop3A_162 = tpu.vector_load %arg8[%parallel_loop3A_161] {strides = array<i32>} : memref<51200xf32, #tpu.memory_space<vmem>>, vector<16xf32>,
        tpu.vector_store %arg8[%parallel_loop3A_161], %parallel_loop3A_154 {strides = array<i32>} : memref<51200xf32, #tpu.memory_space<vmem>>, vector<16xf32>,
        %parallel_loop3A_163 = arith.mulf %parallel_loop3A_144, %parallel_loop3A_82 : vector<16xf32>
        %parallel_loop3A_164 = arith.constant 64 : i32
        %parallel_loop3A_165 = arith.muli %parallel_loop3A_64, %parallel_loop3A_164 : i32
        %parallel_loop3A_166 = arith.constant 6400 : i32
        %parallel_loop3A_167 = arith.addi %parallel_loop3A_166, %parallel_loop3A_165 : i32
        %parallel_loop3A_168 = arith.constant 32 : i32
        %parallel_loop3A_169 = arith.addi %parallel_loop3A_167, %parallel_loop3A_168 : i32
        %parallel_loop3A_170 = arith.index_cast %parallel_loop3A_169 : i32 to index
        %parallel_loop3A_171 = tpu.vector_load %arg8[%parallel_loop3A_170] {strides = array<i32>} : memref<51200xf32, #tpu.memory_space<vmem>>, vector<16xf32>,
        tpu.vector_store %arg8[%parallel_loop3A_170], %parallel_loop3A_163 {strides = array<i32>} : memref<51200xf32, #tpu.memory_space<vmem>>, vector<16xf32>,
        %parallel_loop3A_172 = arith.mulf %parallel_loop3A_144, %parallel_loop3A_88 : vector<16xf32>
        %parallel_loop3A_173 = arith.constant 64 : i32
        %parallel_loop3A_174 = arith.muli %parallel_loop3A_64, %parallel_loop3A_173 : i32
        %parallel_loop3A_175 = arith.constant 6400 : i32
        %parallel_loop3A_176 = arith.addi %parallel_loop3A_175, %parallel_loop3A_174 : i32
        %parallel_loop3A_177 = arith.constant 48 : i32
        %parallel_loop3A_178 = arith.addi %parallel_loop3A_176, %parallel_loop3A_177 : i32
        %parallel_loop3A_179 = arith.index_cast %parallel_loop3A_178 : i32 to index
        %parallel_loop3A_180 = tpu.vector_load %arg8[%parallel_loop3A_179] {strides = array<i32>} : memref<51200xf32, #tpu.memory_space<vmem>>, vector<16xf32>,
        tpu.vector_store %arg8[%parallel_loop3A_179], %parallel_loop3A_172 {strides = array<i32>} : memref<51200xf32, #tpu.memory_space<vmem>>, vector<16xf32>,
        %parallel_loop3A_181 = arith.constant 8 : i32
        %parallel_loop3A_182 = arith.muli %add3A_51, %parallel_loop3A_181 : i32
        %parallel_loop3A_183 = arith.constant 2 : i32
        %parallel_loop3A_184 = arith.addi %parallel_loop3A_182, %parallel_loop3A_183 : i32
        %parallel_loop3A_185 = vector.broadcast %parallel_loop3A_184 : i32 to vector<16xi32>
        %parallel_loop3A_186 = arith.constant 0 : i32
        %parallel_loop3A_187 = vector.broadcast %parallel_loop3A_186 : i32 to vector<16xi32>
        %parallel_loop3A_188 = vector.broadcast %parallel_loop3A_64 : i32 to vector<16xi32>
        %parallel_loop3A_189 = arith.addi %parallel_loop3A_187, %parallel_loop3A_188 : vector<16xi32>
        %parallel_loop3A_190 = tpu.vector_load_idx %arg6[%parallel_loop3A_185, %parallel_loop3A_189] : memref<128x100xf32, #tpu.memory_space<vmem>>[vector<16xi32>, vector<16xi32>], vector<16xf32>,
        %parallel_loop3A_191 = arith.mulf %parallel_loop3A_190, %parallel_loop3A_70 : vector<16xf32>
        %parallel_loop3A_192 = arith.constant 64 : i32
        %parallel_loop3A_193 = arith.muli %parallel_loop3A_64, %parallel_loop3A_192 : i32
        %parallel_loop3A_194 = arith.constant 12800 : i32
        %parallel_loop3A_195 = arith.addi %parallel_loop3A_194, %parallel_loop3A_193 : i32
        %parallel_loop3A_196 = arith.constant 0 : i32
        %parallel_loop3A_197 = arith.addi %parallel_loop3A_195, %parallel_loop3A_196 : i32
        %parallel_loop3A_198 = arith.index_cast %parallel_loop3A_197 : i32 to index
        %parallel_loop3A_199 = tpu.vector_load %arg8[%parallel_loop3A_198] {strides = array<i32>} : memref<51200xf32, #tpu.memory_space<vmem>>, vector<16xf32>,
        tpu.vector_store %arg8[%parallel_loop3A_198], %parallel_loop3A_191 {strides = array<i32>} : memref<51200xf32, #tpu.memory_space<vmem>>, vector<16xf32>,
        %parallel_loop3A_200 = arith.mulf %parallel_loop3A_190, %parallel_loop3A_76 : vector<16xf32>
        %parallel_loop3A_201 = arith.constant 64 : i32
        %parallel_loop3A_202 = arith.muli %parallel_loop3A_64, %parallel_loop3A_201 : i32
        %parallel_loop3A_203 = arith.constant 12800 : i32
        %parallel_loop3A_204 = arith.addi %parallel_loop3A_203, %parallel_loop3A_202 : i32
        %parallel_loop3A_205 = arith.constant 16 : i32
        %parallel_loop3A_206 = arith.addi %parallel_loop3A_204, %parallel_loop3A_205 : i32
        %parallel_loop3A_207 = arith.index_cast %parallel_loop3A_206 : i32 to index
        %parallel_loop3A_208 = tpu.vector_load %arg8[%parallel_loop3A_207] {strides = array<i32>} : memref<51200xf32, #tpu.memory_space<vmem>>, vector<16xf32>,
        tpu.vector_store %arg8[%parallel_loop3A_207], %parallel_loop3A_200 {strides = array<i32>} : memref<51200xf32, #tpu.memory_space<vmem>>, vector<16xf32>,
        %parallel_loop3A_209 = arith.mulf %parallel_loop3A_190, %parallel_loop3A_82 : vector<16xf32>
        %parallel_loop3A_210 = arith.constant 64 : i32
        %parallel_loop3A_211 = arith.muli %parallel_loop3A_64, %parallel_loop3A_210 : i32
        %parallel_loop3A_212 = arith.constant 12800 : i32
        %parallel_loop3A_213 = arith.addi %parallel_loop3A_212, %parallel_loop3A_211 : i32
        %parallel_loop3A_214 = arith.constant 32 : i32
        %parallel_loop3A_215 = arith.addi %parallel_loop3A_213, %parallel_loop3A_214 : i32
        %parallel_loop3A_216 = arith.index_cast %parallel_loop3A_215 : i32 to index
        %parallel_loop3A_217 = tpu.vector_load %arg8[%parallel_loop3A_216] {strides = array<i32>} : memref<51200xf32, #tpu.memory_space<vmem>>, vector<16xf32>,
        tpu.vector_store %arg8[%parallel_loop3A_216], %parallel_loop3A_209 {strides = array<i32>} : memref<51200xf32, #tpu.memory_space<vmem>>, vector<16xf32>,
        %parallel_loop3A_218 = arith.mulf %parallel_loop3A_190, %parallel_loop3A_88 : vector<16xf32>
        %parallel_loop3A_219 = arith.constant 64 : i32
        %parallel_loop3A_220 = arith.muli %parallel_loop3A_64, %parallel_loop3A_219 : i32
        %parallel_loop3A_221 = arith.constant 12800 : i32
        %parallel_loop3A_222 = arith.addi %parallel_loop3A_221, %parallel_loop3A_220 : i32
        %parallel_loop3A_223 = arith.constant 48 : i32
        %parallel_loop3A_224 = arith.addi %parallel_loop3A_222, %parallel_loop3A_223 : i32
        %parallel_loop3A_225 = arith.index_cast %parallel_loop3A_224 : i32 to index
        %parallel_loop3A_226 = tpu.vector_load %arg8[%parallel_loop3A_225] {strides = array<i32>} : memref<51200xf32, #tpu.memory_space<vmem>>, vector<16xf32>,
        tpu.vector_store %arg8[%parallel_loop3A_225], %parallel_loop3A_218 {strides = array<i32>} : memref<51200xf32, #tpu.memory_space<vmem>>, vector<16xf32>,
        %parallel_loop3A_227 = arith.constant 8 : i32
        %parallel_loop3A_228 = arith.muli %add3A_51, %parallel_loop3A_227 : i32
        %parallel_loop3A_229 = arith.constant 3 : i32
        %parallel_loop3A_230 = arith.addi %parallel_loop3A_228, %parallel_loop3A_229 : i32
        %parallel_loop3A_231 = vector.broadcast %parallel_loop3A_230 : i32 to vector<16xi32>
        %parallel_loop3A_232 = arith.constant 0 : i32
        %parallel_loop3A_233 = vector.broadcast %parallel_loop3A_232 : i32 to vector<16xi32>
        %parallel_loop3A_234 = vector.broadcast %parallel_loop3A_64 : i32 to vector<16xi32>
        %parallel_loop3A_235 = arith.addi %parallel_loop3A_233, %parallel_loop3A_234 : vector<16xi32>
        %parallel_loop3A_236 = tpu.vector_load_idx %arg6[%parallel_loop3A_231, %parallel_loop3A_235] : memref<128x100xf32, #tpu.memory_space<vmem>>[vector<16xi32>, vector<16xi32>], vector<16xf32>,
        %parallel_loop3A_237 = arith.mulf %parallel_loop3A_236, %parallel_loop3A_70 : vector<16xf32>
        %parallel_loop3A_238 = arith.constant 64 : i32
        %parallel_loop3A_239 = arith.muli %parallel_loop3A_64, %parallel_loop3A_238 : i32
        %parallel_loop3A_240 = arith.constant 19200 : i32
        %parallel_loop3A_241 = arith.addi %parallel_loop3A_240, %parallel_loop3A_239 : i32
        %parallel_loop3A_242 = arith.constant 0 : i32
        %parallel_loop3A_243 = arith.addi %parallel_loop3A_241, %parallel_loop3A_242 : i32
        %parallel_loop3A_244 = arith.index_cast %parallel_loop3A_243 : i32 to index
        %parallel_loop3A_245 = tpu.vector_load %arg8[%parallel_loop3A_244] {strides = array<i32>} : memref<51200xf32, #tpu.memory_space<vmem>>, vector<16xf32>,
        tpu.vector_store %arg8[%parallel_loop3A_244], %parallel_loop3A_237 {strides = array<i32>} : memref<51200xf32, #tpu.memory_space<vmem>>, vector<16xf32>,
        %parallel_loop3A_246 = arith.mulf %parallel_loop3A_236, %parallel_loop3A_76 : vector<16xf32>
        %parallel_loop3A_247 = arith.constant 64 : i32
        %parallel_loop3A_248 = arith.muli %parallel_loop3A_64, %parallel_loop3A_247 : i32
        %parallel_loop3A_249 = arith.constant 19200 : i32
        %parallel_loop3A_250 = arith.addi %parallel_loop3A_249, %parallel_loop3A_248 : i32
        %parallel_loop3A_251 = arith.constant 16 : i32
        %parallel_loop3A_252 = arith.addi %parallel_loop3A_250, %parallel_loop3A_251 : i32
        %parallel_loop3A_253 = arith.index_cast %parallel_loop3A_252 : i32 to index
        %parallel_loop3A_254 = tpu.vector_load %arg8[%parallel_loop3A_253] {strides = array<i32>} : memref<51200xf32, #tpu.memory_space<vmem>>, vector<16xf32>,
        tpu.vector_store %arg8[%parallel_loop3A_253], %parallel_loop3A_246 {strides = array<i32>} : memref<51200xf32, #tpu.memory_space<vmem>>, vector<16xf32>,
        %parallel_loop3A_255 = arith.mulf %parallel_loop3A_236, %parallel_loop3A_82 : vector<16xf32>
        %parallel_loop3A_256 = arith.constant 64 : i32
        %parallel_loop3A_257 = arith.muli %parallel_loop3A_64, %parallel_loop3A_256 : i32
        %parallel_loop3A_258 = arith.constant 19200 : i32
        %parallel_loop3A_259 = arith.addi %parallel_loop3A_258, %parallel_loop3A_257 : i32
        %parallel_loop3A_260 = arith.constant 32 : i32
        %parallel_loop3A_261 = arith.addi %parallel_loop3A_259, %parallel_loop3A_260 : i32
        %parallel_loop3A_262 = arith.index_cast %parallel_loop3A_261 : i32 to index
        %parallel_loop3A_263 = tpu.vector_load %arg8[%parallel_loop3A_262] {strides = array<i32>} : memref<51200xf32, #tpu.memory_space<vmem>>, vector<16xf32>,
        tpu.vector_store %arg8[%parallel_loop3A_262], %parallel_loop3A_255 {strides = array<i32>} : memref<51200xf32, #tpu.memory_space<vmem>>, vector<16xf32>,
        %parallel_loop3A_264 = arith.mulf %parallel_loop3A_236, %parallel_loop3A_88 : vector<16xf32>
        %parallel_loop3A_265 = arith.constant 64 : i32
        %parallel_loop3A_266 = arith.muli %parallel_loop3A_64, %parallel_loop3A_265 : i32
        %parallel_loop3A_267 = arith.constant 19200 : i32
        %parallel_loop3A_268 = arith.addi %parallel_loop3A_267, %parallel_loop3A_266 : i32
        %parallel_loop3A_269 = arith.constant 48 : i32
        %parallel_loop3A_270 = arith.addi %parallel_loop3A_268, %parallel_loop3A_269 : i32
        %parallel_loop3A_271 = arith.index_cast %parallel_loop3A_270 : i32 to index
        %parallel_loop3A_272 = tpu.vector_load %arg8[%parallel_loop3A_271] {strides = array<i32>} : memref<51200xf32, #tpu.memory_space<vmem>>, vector<16xf32>,
        tpu.vector_store %arg8[%parallel_loop3A_271], %parallel_loop3A_264 {strides = array<i32>} : memref<51200xf32, #tpu.memory_space<vmem>>, vector<16xf32>,
        %parallel_loop3A_273 = arith.constant 8 : i32
        %parallel_loop3A_274 = arith.muli %add3A_51, %parallel_loop3A_273 : i32
        %parallel_loop3A_275 = arith.constant 4 : i32
        %parallel_loop3A_276 = arith.addi %parallel_loop3A_274, %parallel_loop3A_275 : i32
        %parallel_loop3A_277 = vector.broadcast %parallel_loop3A_276 : i32 to vector<16xi32>
        %parallel_loop3A_278 = arith.constant 0 : i32
        %parallel_loop3A_279 = vector.broadcast %parallel_loop3A_278 : i32 to vector<16xi32>
        %parallel_loop3A_280 = vector.broadcast %parallel_loop3A_64 : i32 to vector<16xi32>
        %parallel_loop3A_281 = arith.addi %parallel_loop3A_279, %parallel_loop3A_280 : vector<16xi32>
        %parallel_loop3A_282 = tpu.vector_load_idx %arg6[%parallel_loop3A_277, %parallel_loop3A_281] : memref<128x100xf32, #tpu.memory_space<vmem>>[vector<16xi32>, vector<16xi32>], vector<16xf32>,
        %parallel_loop3A_283 = arith.mulf %parallel_loop3A_282, %parallel_loop3A_70 : vector<16xf32>
        %parallel_loop3A_284 = arith.constant 64 : i32
        %parallel_loop3A_285 = arith.muli %parallel_loop3A_64, %parallel_loop3A_284 : i32
        %parallel_loop3A_286 = arith.constant 25600 : i32
        %parallel_loop3A_287 = arith.addi %parallel_loop3A_286, %parallel_loop3A_285 : i32
        %parallel_loop3A_288 = arith.constant 0 : i32
        %parallel_loop3A_289 = arith.addi %parallel_loop3A_287, %parallel_loop3A_288 : i32
        %parallel_loop3A_290 = arith.index_cast %parallel_loop3A_289 : i32 to index
        %parallel_loop3A_291 = tpu.vector_load %arg8[%parallel_loop3A_290] {strides = array<i32>} : memref<51200xf32, #tpu.memory_space<vmem>>, vector<16xf32>,
        tpu.vector_store %arg8[%parallel_loop3A_290], %parallel_loop3A_283 {strides = array<i32>} : memref<51200xf32, #tpu.memory_space<vmem>>, vector<16xf32>,
        %parallel_loop3A_292 = arith.mulf %parallel_loop3A_282, %parallel_loop3A_76 : vector<16xf32>
        %parallel_loop3A_293 = arith.constant 64 : i32
        %parallel_loop3A_294 = arith.muli %parallel_loop3A_64, %parallel_loop3A_293 : i32
        %parallel_loop3A_295 = arith.constant 25600 : i32
        %parallel_loop3A_296 = arith.addi %parallel_loop3A_295, %parallel_loop3A_294 : i32
        %parallel_loop3A_297 = arith.constant 16 : i32
        %parallel_loop3A_298 = arith.addi %parallel_loop3A_296, %parallel_loop3A_297 : i32
        %parallel_loop3A_299 = arith.index_cast %parallel_loop3A_298 : i32 to index
        %parallel_loop3A_300 = tpu.vector_load %arg8[%parallel_loop3A_299] {strides = array<i32>} : memref<51200xf32, #tpu.memory_space<vmem>>, vector<16xf32>,
        tpu.vector_store %arg8[%parallel_loop3A_299], %parallel_loop3A_292 {strides = array<i32>} : memref<51200xf32, #tpu.memory_space<vmem>>, vector<16xf32>,
        %parallel_loop3A_301 = arith.mulf %parallel_loop3A_282, %parallel_loop3A_82 : vector<16xf32>
        %parallel_loop3A_302 = arith.constant 64 : i32
        %parallel_loop3A_303 = arith.muli %parallel_loop3A_64, %parallel_loop3A_302 : i32
        %parallel_loop3A_304 = arith.constant 25600 : i32
        %parallel_loop3A_305 = arith.addi %parallel_loop3A_304, %parallel_loop3A_303 : i32
        %parallel_loop3A_306 = arith.constant 32 : i32
        %parallel_loop3A_307 = arith.addi %parallel_loop3A_305, %parallel_loop3A_306 : i32
        %parallel_loop3A_308 = arith.index_cast %parallel_loop3A_307 : i32 to index
        %parallel_loop3A_309 = tpu.vector_load %arg8[%parallel_loop3A_308] {strides = array<i32>} : memref<51200xf32, #tpu.memory_space<vmem>>, vector<16xf32>,
        tpu.vector_store %arg8[%parallel_loop3A_308], %parallel_loop3A_301 {strides = array<i32>} : memref<51200xf32, #tpu.memory_space<vmem>>, vector<16xf32>,
        %parallel_loop3A_310 = arith.mulf %parallel_loop3A_282, %parallel_loop3A_88 : vector<16xf32>
        %parallel_loop3A_311 = arith.constant 64 : i32
        %parallel_loop3A_312 = arith.muli %parallel_loop3A_64, %parallel_loop3A_311 : i32
        %parallel_loop3A_313 = arith.constant 25600 : i32
        %parallel_loop3A_314 = arith.addi %parallel_loop3A_313, %parallel_loop3A_312 : i32
        %parallel_loop3A_315 = arith.constant 48 : i32
        %parallel_loop3A_316 = arith.addi %parallel_loop3A_314, %parallel_loop3A_315 : i32
        %parallel_loop3A_317 = arith.index_cast %parallel_loop3A_316 : i32 to index
        %parallel_loop3A_318 = tpu.vector_load %arg8[%parallel_loop3A_317] {strides = array<i32>} : memref<51200xf32, #tpu.memory_space<vmem>>, vector<16xf32>,
        tpu.vector_store %arg8[%parallel_loop3A_317], %parallel_loop3A_310 {strides = array<i32>} : memref<51200xf32, #tpu.memory_space<vmem>>, vector<16xf32>,
        %parallel_loop3A_319 = arith.constant 8 : i32
        %parallel_loop3A_320 = arith.muli %add3A_51, %parallel_loop3A_319 : i32
        %parallel_loop3A_321 = arith.constant 5 : i32
        %parallel_loop3A_322 = arith.addi %parallel_loop3A_320, %parallel_loop3A_321 : i32
        %parallel_loop3A_323 = vector.broadcast %parallel_loop3A_322 : i32 to vector<16xi32>
        %parallel_loop3A_324 = arith.constant 0 : i32
        %parallel_loop3A_325 = vector.broadcast %parallel_loop3A_324 : i32 to vector<16xi32>
        %parallel_loop3A_326 = vector.broadcast %parallel_loop3A_64 : i32 to vector<16xi32>
        %parallel_loop3A_327 = arith.addi %parallel_loop3A_325, %parallel_loop3A_326 : vector<16xi32>
        %parallel_loop3A_328 = tpu.vector_load_idx %arg6[%parallel_loop3A_323, %parallel_loop3A_327] : memref<128x100xf32, #tpu.memory_space<vmem>>[vector<16xi32>, vector<16xi32>], vector<16xf32>,
        %parallel_loop3A_329 = arith.mulf %parallel_loop3A_328, %parallel_loop3A_70 : vector<16xf32>
        %parallel_loop3A_330 = arith.constant 64 : i32
        %parallel_loop3A_331 = arith.muli %parallel_loop3A_64, %parallel_loop3A_330 : i32
        %parallel_loop3A_332 = arith.constant 32000 : i32
        %parallel_loop3A_333 = arith.addi %parallel_loop3A_332, %parallel_loop3A_331 : i32
        %parallel_loop3A_334 = arith.constant 0 : i32
        %parallel_loop3A_335 = arith.addi %parallel_loop3A_333, %parallel_loop3A_334 : i32
        %parallel_loop3A_336 = arith.index_cast %parallel_loop3A_335 : i32 to index
        %parallel_loop3A_337 = tpu.vector_load %arg8[%parallel_loop3A_336] {strides = array<i32>} : memref<51200xf32, #tpu.memory_space<vmem>>, vector<16xf32>,
        tpu.vector_store %arg8[%parallel_loop3A_336], %parallel_loop3A_329 {strides = array<i32>} : memref<51200xf32, #tpu.memory_space<vmem>>, vector<16xf32>,
        %parallel_loop3A_338 = arith.mulf %parallel_loop3A_328, %parallel_loop3A_76 : vector<16xf32>
        %parallel_loop3A_339 = arith.constant 64 : i32
        %parallel_loop3A_340 = arith.muli %parallel_loop3A_64, %parallel_loop3A_339 : i32
        %parallel_loop3A_341 = arith.constant 32000 : i32
        %parallel_loop3A_342 = arith.addi %parallel_loop3A_341, %parallel_loop3A_340 : i32
        %parallel_loop3A_343 = arith.constant 16 : i32
        %parallel_loop3A_344 = arith.addi %parallel_loop3A_342, %parallel_loop3A_343 : i32
        %parallel_loop3A_345 = arith.index_cast %parallel_loop3A_344 : i32 to index
        %parallel_loop3A_346 = tpu.vector_load %arg8[%parallel_loop3A_345] {strides = array<i32>} : memref<51200xf32, #tpu.memory_space<vmem>>, vector<16xf32>,
        tpu.vector_store %arg8[%parallel_loop3A_345], %parallel_loop3A_338 {strides = array<i32>} : memref<51200xf32, #tpu.memory_space<vmem>>, vector<16xf32>,
        %parallel_loop3A_347 = arith.mulf %parallel_loop3A_328, %parallel_loop3A_82 : vector<16xf32>
        %parallel_loop3A_348 = arith.constant 64 : i32
        %parallel_loop3A_349 = arith.muli %parallel_loop3A_64, %parallel_loop3A_348 : i32
        %parallel_loop3A_350 = arith.constant 32000 : i32
        %parallel_loop3A_351 = arith.addi %parallel_loop3A_350, %parallel_loop3A_349 : i32
        %parallel_loop3A_352 = arith.constant 32 : i32
        %parallel_loop3A_353 = arith.addi %parallel_loop3A_351, %parallel_loop3A_352 : i32
        %parallel_loop3A_354 = arith.index_cast %parallel_loop3A_353 : i32 to index
        %parallel_loop3A_355 = tpu.vector_load %arg8[%parallel_loop3A_354] {strides = array<i32>} : memref<51200xf32, #tpu.memory_space<vmem>>, vector<16xf32>,
        tpu.vector_store %arg8[%parallel_loop3A_354], %parallel_loop3A_347 {strides = array<i32>} : memref<51200xf32, #tpu.memory_space<vmem>>, vector<16xf32>,
        %parallel_loop3A_356 = arith.mulf %parallel_loop3A_328, %parallel_loop3A_88 : vector<16xf32>
        %parallel_loop3A_357 = arith.constant 64 : i32
        %parallel_loop3A_358 = arith.muli %parallel_loop3A_64, %parallel_loop3A_357 : i32
        %parallel_loop3A_359 = arith.constant 32000 : i32
        %parallel_loop3A_360 = arith.addi %parallel_loop3A_359, %parallel_loop3A_358 : i32
        %parallel_loop3A_361 = arith.constant 48 : i32
        %parallel_loop3A_362 = arith.addi %parallel_loop3A_360, %parallel_loop3A_361 : i32
        %parallel_loop3A_363 = arith.index_cast %parallel_loop3A_362 : i32 to index
        %parallel_loop3A_364 = tpu.vector_load %arg8[%parallel_loop3A_363] {strides = array<i32>} : memref<51200xf32, #tpu.memory_space<vmem>>, vector<16xf32>,
        tpu.vector_store %arg8[%parallel_loop3A_363], %parallel_loop3A_356 {strides = array<i32>} : memref<51200xf32, #tpu.memory_space<vmem>>, vector<16xf32>,
        %parallel_loop3A_365 = arith.constant 8 : i32
        %parallel_loop3A_366 = arith.muli %add3A_51, %parallel_loop3A_365 : i32
        %parallel_loop3A_367 = arith.constant 6 : i32
        %parallel_loop3A_368 = arith.addi %parallel_loop3A_366, %parallel_loop3A_367 : i32
        %parallel_loop3A_369 = vector.broadcast %parallel_loop3A_368 : i32 to vector<16xi32>
        %parallel_loop3A_370 = arith.constant 0 : i32
        %parallel_loop3A_371 = vector.broadcast %parallel_loop3A_370 : i32 to vector<16xi32>
        %parallel_loop3A_372 = vector.broadcast %parallel_loop3A_64 : i32 to vector<16xi32>
        %parallel_loop3A_373 = arith.addi %parallel_loop3A_371, %parallel_loop3A_372 : vector<16xi32>
        %parallel_loop3A_374 = tpu.vector_load_idx %arg6[%parallel_loop3A_369, %parallel_loop3A_373] : memref<128x100xf32, #tpu.memory_space<vmem>>[vector<16xi32>, vector<16xi32>], vector<16xf32>,
        %parallel_loop3A_375 = arith.mulf %parallel_loop3A_374, %parallel_loop3A_70 : vector<16xf32>
        %parallel_loop3A_376 = arith.constant 64 : i32
        %parallel_loop3A_377 = arith.muli %parallel_loop3A_64, %parallel_loop3A_376 : i32
        %parallel_loop3A_378 = arith.constant 38400 : i32
        %parallel_loop3A_379 = arith.addi %parallel_loop3A_378, %parallel_loop3A_377 : i32
        %parallel_loop3A_380 = arith.constant 0 : i32
        %parallel_loop3A_381 = arith.addi %parallel_loop3A_379, %parallel_loop3A_380 : i32
        %parallel_loop3A_382 = arith.index_cast %parallel_loop3A_381 : i32 to index
        %parallel_loop3A_383 = tpu.vector_load %arg8[%parallel_loop3A_382] {strides = array<i32>} : memref<51200xf32, #tpu.memory_space<vmem>>, vector<16xf32>,
        tpu.vector_store %arg8[%parallel_loop3A_382], %parallel_loop3A_375 {strides = array<i32>} : memref<51200xf32, #tpu.memory_space<vmem>>, vector<16xf32>,
        %parallel_loop3A_384 = arith.mulf %parallel_loop3A_374, %parallel_loop3A_76 : vector<16xf32>
        %parallel_loop3A_385 = arith.constant 64 : i32
        %parallel_loop3A_386 = arith.muli %parallel_loop3A_64, %parallel_loop3A_385 : i32
        %parallel_loop3A_387 = arith.constant 38400 : i32
        %parallel_loop3A_388 = arith.addi %parallel_loop3A_387, %parallel_loop3A_386 : i32
        %parallel_loop3A_389 = arith.constant 16 : i32
        %parallel_loop3A_390 = arith.addi %parallel_loop3A_388, %parallel_loop3A_389 : i32
        %parallel_loop3A_391 = arith.index_cast %parallel_loop3A_390 : i32 to index
        %parallel_loop3A_392 = tpu.vector_load %arg8[%parallel_loop3A_391] {strides = array<i32>} : memref<51200xf32, #tpu.memory_space<vmem>>, vector<16xf32>,
        tpu.vector_store %arg8[%parallel_loop3A_391], %parallel_loop3A_384 {strides = array<i32>} : memref<51200xf32, #tpu.memory_space<vmem>>, vector<16xf32>,
        %parallel_loop3A_393 = arith.mulf %parallel_loop3A_374, %parallel_loop3A_82 : vector<16xf32>
        %parallel_loop3A_394 = arith.constant 64 : i32
        %parallel_loop3A_395 = arith.muli %parallel_loop3A_64, %parallel_loop3A_394 : i32
        %parallel_loop3A_396 = arith.constant 38400 : i32
        %parallel_loop3A_397 = arith.addi %parallel_loop3A_396, %parallel_loop3A_395 : i32
        %parallel_loop3A_398 = arith.constant 32 : i32
        %parallel_loop3A_399 = arith.addi %parallel_loop3A_397, %parallel_loop3A_398 : i32
        %parallel_loop3A_400 = arith.index_cast %parallel_loop3A_399 : i32 to index
        %parallel_loop3A_401 = tpu.vector_load %arg8[%parallel_loop3A_400] {strides = array<i32>} : memref<51200xf32, #tpu.memory_space<vmem>>, vector<16xf32>,
        tpu.vector_store %arg8[%parallel_loop3A_400], %parallel_loop3A_393 {strides = array<i32>} : memref<51200xf32, #tpu.memory_space<vmem>>, vector<16xf32>,
        %parallel_loop3A_402 = arith.mulf %parallel_loop3A_374, %parallel_loop3A_88 : vector<16xf32>
        %parallel_loop3A_403 = arith.constant 64 : i32
        %parallel_loop3A_404 = arith.muli %parallel_loop3A_64, %parallel_loop3A_403 : i32
        %parallel_loop3A_405 = arith.constant 38400 : i32
        %parallel_loop3A_406 = arith.addi %parallel_loop3A_405, %parallel_loop3A_404 : i32
        %parallel_loop3A_407 = arith.constant 48 : i32
        %parallel_loop3A_408 = arith.addi %parallel_loop3A_406, %parallel_loop3A_407 : i32
        %parallel_loop3A_409 = arith.index_cast %parallel_loop3A_408 : i32 to index
        %parallel_loop3A_410 = tpu.vector_load %arg8[%parallel_loop3A_409] {strides = array<i32>} : memref<51200xf32, #tpu.memory_space<vmem>>, vector<16xf32>,
        tpu.vector_store %arg8[%parallel_loop3A_409], %parallel_loop3A_402 {strides = array<i32>} : memref<51200xf32, #tpu.memory_space<vmem>>, vector<16xf32>,
        %parallel_loop3A_411 = arith.constant 8 : i32
        %parallel_loop3A_412 = arith.muli %add3A_51, %parallel_loop3A_411 : i32
        %parallel_loop3A_413 = arith.constant 7 : i32
        %parallel_loop3A_414 = arith.addi %parallel_loop3A_412, %parallel_loop3A_413 : i32
        %parallel_loop3A_415 = vector.broadcast %parallel_loop3A_414 : i32 to vector<16xi32>
        %parallel_loop3A_416 = arith.constant 0 : i32
        %parallel_loop3A_417 = vector.broadcast %parallel_loop3A_416 : i32 to vector<16xi32>
        %parallel_loop3A_418 = vector.broadcast %parallel_loop3A_64 : i32 to vector<16xi32>
        %parallel_loop3A_419 = arith.addi %parallel_loop3A_417, %parallel_loop3A_418 : vector<16xi32>
        %parallel_loop3A_420 = tpu.vector_load_idx %arg6[%parallel_loop3A_415, %parallel_loop3A_419] : memref<128x100xf32, #tpu.memory_space<vmem>>[vector<16xi32>, vector<16xi32>], vector<16xf32>,
        %parallel_loop3A_421 = arith.mulf %parallel_loop3A_420, %parallel_loop3A_70 : vector<16xf32>
        %parallel_loop3A_422 = arith.constant 64 : i32
        %parallel_loop3A_423 = arith.muli %parallel_loop3A_64, %parallel_loop3A_422 : i32
        %parallel_loop3A_424 = arith.constant 44800 : i32
        %parallel_loop3A_425 = arith.addi %parallel_loop3A_424, %parallel_loop3A_423 : i32
        %parallel_loop3A_426 = arith.constant 0 : i32
        %parallel_loop3A_427 = arith.addi %parallel_loop3A_425, %parallel_loop3A_426 : i32
        %parallel_loop3A_428 = arith.index_cast %parallel_loop3A_427 : i32 to index
        %parallel_loop3A_429 = tpu.vector_load %arg8[%parallel_loop3A_428] {strides = array<i32>} : memref<51200xf32, #tpu.memory_space<vmem>>, vector<16xf32>,
        tpu.vector_store %arg8[%parallel_loop3A_428], %parallel_loop3A_421 {strides = array<i32>} : memref<51200xf32, #tpu.memory_space<vmem>>, vector<16xf32>,
        %parallel_loop3A_430 = arith.mulf %parallel_loop3A_420, %parallel_loop3A_76 : vector<16xf32>
        %parallel_loop3A_431 = arith.constant 64 : i32
        %parallel_loop3A_432 = arith.muli %parallel_loop3A_64, %parallel_loop3A_431 : i32
        %parallel_loop3A_433 = arith.constant 44800 : i32
        %parallel_loop3A_434 = arith.addi %parallel_loop3A_433, %parallel_loop3A_432 : i32
        %parallel_loop3A_435 = arith.constant 16 : i32
        %parallel_loop3A_436 = arith.addi %parallel_loop3A_434, %parallel_loop3A_435 : i32
        %parallel_loop3A_437 = arith.index_cast %parallel_loop3A_436 : i32 to index
        %parallel_loop3A_438 = tpu.vector_load %arg8[%parallel_loop3A_437] {strides = array<i32>} : memref<51200xf32, #tpu.memory_space<vmem>>, vector<16xf32>,
        tpu.vector_store %arg8[%parallel_loop3A_437], %parallel_loop3A_430 {strides = array<i32>} : memref<51200xf32, #tpu.memory_space<vmem>>, vector<16xf32>,
        %parallel_loop3A_439 = arith.mulf %parallel_loop3A_420, %parallel_loop3A_82 : vector<16xf32>
        %parallel_loop3A_440 = arith.constant 64 : i32
        %parallel_loop3A_441 = arith.muli %parallel_loop3A_64, %parallel_loop3A_440 : i32
        %parallel_loop3A_442 = arith.constant 44800 : i32
        %parallel_loop3A_443 = arith.addi %parallel_loop3A_442, %parallel_loop3A_441 : i32
        %parallel_loop3A_444 = arith.constant 32 : i32
        %parallel_loop3A_445 = arith.addi %parallel_loop3A_443, %parallel_loop3A_444 : i32
        %parallel_loop3A_446 = arith.index_cast %parallel_loop3A_445 : i32 to index
        %parallel_loop3A_447 = tpu.vector_load %arg8[%parallel_loop3A_446] {strides = array<i32>} : memref<51200xf32, #tpu.memory_space<vmem>>, vector<16xf32>,
        tpu.vector_store %arg8[%parallel_loop3A_446], %parallel_loop3A_439 {strides = array<i32>} : memref<51200xf32, #tpu.memory_space<vmem>>, vector<16xf32>,
        %parallel_loop3A_448 = arith.mulf %parallel_loop3A_420, %parallel_loop3A_88 : vector<16xf32>
        %parallel_loop3A_449 = arith.constant 64 : i32
        %parallel_loop3A_450 = arith.muli %parallel_loop3A_64, %parallel_loop3A_449 : i32
        %parallel_loop3A_451 = arith.constant 44800 : i32
        %parallel_loop3A_452 = arith.addi %parallel_loop3A_451, %parallel_loop3A_450 : i32
        %parallel_loop3A_453 = arith.constant 48 : i32
        %parallel_loop3A_454 = arith.addi %parallel_loop3A_452, %parallel_loop3A_453 : i32
        %parallel_loop3A_455 = arith.index_cast %parallel_loop3A_454 : i32 to index
        %parallel_loop3A_456 = tpu.vector_load %arg8[%parallel_loop3A_455] {strides = array<i32>} : memref<51200xf32, #tpu.memory_space<vmem>>, vector<16xf32>,
        tpu.vector_store %arg8[%parallel_loop3A_455], %parallel_loop3A_448 {strides = array<i32>} : memref<51200xf32, #tpu.memory_space<vmem>>, vector<16xf32>,
      } {sc.loop_unroll_factor = 1 : i64, sc.parallel_access}
      %add3A_55 = arith.constant 1 : i32
      %add3A_56 = arith.addi %add3A_26, %add3A_55 : i32
      %mul3A_57 = arith.constant 8 : i32
      %mul3A_58 = arith.muli %add3A_56, %mul3A_57 : i32
      %add3A_59 = arith.addi %mul3A_2, %mul3A_58 : i32
      %mul3A_60 = arith.constant 6400 : i32
      %mul3A_61 = arith.muli %add3A_59, %mul3A_60 : i32
      %dma_start3A_62 = tpu.memref_slice %arg4[%mul3A_61] : memref<26214400xf32, #tpu.memory_space<hbm>> -> memref<51200xf32, #tpu.memory_space<hbm>>
      %dma_start3A_63 = tpu.memref_slice %arg4[%mul3A_61] : memref<26214400xf32, #tpu.memory_space<hbm>> -> memref<51200xf32, #tpu.memory_space<hbm>>
      tpu.enqueue_dma source(%arg8 : memref<51200xf32, #tpu.memory_space<vmem>>) target(%dma_start3A_63 : memref<51200xf32, #tpu.memory_space<hbm>>) target_semaphore(%arg10 : memref<!tpu.dma_semaphore, #tpu.memory_space<semaphore_mem>>)
    }
    %scan3A_6 = arith.constant 8 : i32
    %mul3A_7 = arith.constant 14 : i32
    %mul3A_8 = arith.constant 8 : i32
    %mul3A_9 = arith.muli %mul3A_7, %mul3A_8 : i32
    %add3A_10 = arith.addi %mul3A_2, %mul3A_9 : i32
    %mul3A_11 = arith.constant 6400 : i32
    %mul3A_12 = arith.muli %add3A_10, %mul3A_11 : i32
    %dma_wait3A = tpu.memref_slice %arg4[%mul3A_12] : memref<26214400xf32, #tpu.memory_space<hbm>> -> memref<51200xf32, #tpu.memory_space<hbm>>
    %dma_wait3A_13 = tpu.memref_slice %arg4[%mul3A_12] : memref<26214400xf32, #tpu.memory_space<hbm>> -> memref<51200xf32, #tpu.memory_space<hbm>>
    tpu.wait_dma2 semaphore(%arg9 : memref<!tpu.dma_semaphore, #tpu.memory_space<semaphore_mem>>) src(%arg7 : memref<51200xf32, #tpu.memory_space<vmem>>) dst(%dma_wait3A_13 : memref<51200xf32, #tpu.memory_space<hbm>>)
    %mul3A_14 = arith.constant 15 : i32
    %mul3A_15 = arith.constant 8 : i32
    %mul3A_16 = arith.muli %mul3A_14, %mul3A_15 : i32
    %add3A_17 = arith.addi %mul3A_2, %mul3A_16 : i32
    %mul3A_18 = arith.constant 6400 : i32
    %mul3A_19 = arith.muli %add3A_17, %mul3A_18 : i32
    %dma_wait3A_20 = tpu.memref_slice %arg4[%mul3A_19] : memref<26214400xf32, #tpu.memory_space<hbm>> -> memref<51200xf32, #tpu.memory_space<hbm>>
    %dma_wait3A_21 = tpu.memref_slice %arg4[%mul3A_19] : memref<26214400xf32, #tpu.memory_space<hbm>> -> memref<51200xf32, #tpu.memory_space<hbm>>
    tpu.wait_dma2 semaphore(%arg10 : memref<!tpu.dma_semaphore, #tpu.memory_space<semaphore_mem>>) src(%arg8 : memref<51200xf32, #tpu.memory_space<vmem>>) dst(%dma_wait3A_21 : memref<51200xf32, #tpu.memory_space<hbm>>)
    return
  }
}

</mosaic_0001>

<sc_bundles>
// kernel: kernel.3.cloned.1.call-start
scs
__scs_entry_jumppad:
0x0: {  	(pc) =	sbr.rel $0x88, $3  }
0x1: {  	(tag) =	ssettag $0x0;
	lr =	simm.s32 $0x1  }
0x2: {  	[smem:$0x3F9F] =	sst lr;
	_ =	strace $0xD0000000  }
0x3: {  	_ = 	snop  }
0x4: {  	_ = 	snop  }
0x5: {  	_ = 	snop  }
0x6: {  	_ = 	snop  }
0x7: {  	_ = 	snop  }
__scs_overlays_trampoline_lowered:
0x8: {  	[smem:$0x3FAE] =	sst s0  }
0x9: {  	[smem:$0x3FAF] =	sst s1  }
0xa: {  	[smem:$0x3FB0] =	sst s2  }
0xb: {  	[smem:$0x3FB1] =	sst s3  }
0xc: {  	[smem:$0x3FB2] =	sst s4  }
0xd: {  	[smem:$0x3FB3] =	sst s5  }
0xe: {  	[smem:$0x3FB4] =	sst s6  }
0xf: {  	[smem:$0x3FB5] =	sst s7  }
0x10: {  	[smem:$0x3FB6] =	sst s8  }
0x11: {  	[smem:$0x3FB7] =	sst s9;
	s0 =	simm.s32 @!p0 $0x0  }
0x12: {  	s1 =	sld [smem:$0x3F9D];
	s0 =	simm.s32 @p0 $0x1  }
0x13: {  	[smem:$0x3FB8] =	sst s0;
	s0 =	simm.s32 @!p1 $0x0  }
0x14: {  	s2 =	sld [smem:$0x3F9C];
	s0 =	simm.s32 @p1 $0x1  }
0x15: {  	[smem:$0x3FB9] =	sst s0;
	s0 =	simm.s32 @!p2 $0x0  }
0x16: {  	s3 =	sld [smem:$0x3FDB];
	s0 =	simm.s32 @p2 $0x1  }
0x17: {  	s4 =	simm.s32 $0x1BF5;
	[smem:$0x3FBB] =	sst s0  }
0x18: {  	s0 =	sld [smem:$0x3F9E];
	_ =	swait.ge [sflag:s4], $0x0  }
0x19: {  	s7 =	sld [smem:$0x3F9F]  }
0x1a: {  	s8 =	sadd.s32 $0xFFFFE003, lr  }
0x1b: {  	s9 =	sadd.s32 $0xFFFFFEF7, lr;
	s5 =	simm.s32 $0xFFFFFFFF;
	p2 =	slt.u32 s8, $0xFFFFF086  }
0x1c: {  	p1 =	slt.u32 s9, $0xF7A;
	s5 =	simm.s32 @!p2 $0x0  }
0x1d: {  	s5 =	simm.s32 @p1 $0x1;
	p0 =	seq.s32 s7, s2  }
0x1e: {  	s7 =	smul.u32 @!p0 $0xF7A, s2;
	p2 =	seq.s32 @!p0 s5, $0x0  }
0x1f: {  	s9 =	smul.u32 $0xF7A, s1;
	s8 =	simm.s32 @!p0 $0x1BF5;
	p2 =	por !p2, p0  }
0x20: {  	[sflag:s8] =	ssyncset.s32 @!p0 $0xFFFFF086;
	s6 =	sadd.s32 @!p0 s3, s7;
	s7 =	simm.s32 @!p0 $0x108  }
0x21: {  	s3 =	sadd.s32 s3, s9;
	s6 =	sadd.s32 @!p0 $0x88, s6;
	s7 =	simm.s32 @p2 $0x1082  }
0x22: {  	[simem:s7], [sflag:s8] =	dma.local @!p0 [hbm:s6], $0xF7A  }
0x23: {  	s9 =	sor.u32 $0xD0000000, s2;
	s6 =	simm.s32 $0x108;
	_ =	swait.ge @!p0 [sflag:s8], $0x0  }
0x24: {  	s3 =	sadd.s32 $0x88, s3;
	s6 =	simm.s32 @!p1 $0x1082;
	[sflag:s4] =	ssyncset.s32 $0xFFFFF086  }
0x25: {  	[simem:s6], [sflag:s4] =	dma.local [hbm:s3], $0xF7A  }
0x26: {  	[smem:$0x3F9F] =	sst s1;
	(tag) =	ssettag s2;
	_ =	strace s9  }
0x27: {  	s1 =	sld [smem:$0x3FAF]  }
0x28: {  	s2 =	sld [smem:$0x3FB0]  }
0x29: {  	s4 =	sld [smem:$0x3FB2]  }
0x2a: {  	p0 =	seq.s32 s5, $0x0;
	s5 =	sld [smem:$0x3FB3]  }
0x2b: {  	s6 =	sld [smem:$0x3FB4]  }
0x2c: {  	s7 =	sld [smem:$0x3FB5]  }
0x2d: {  	s3 =	simm.s32 $0x108;
	s8 =	sld [smem:$0x3FB6]  }
0x2e: {  	s3 =	simm.s32 @!p0 $0x1082;
	s9 =	sld [smem:$0x3FB7]  }
0x2f: {  	lr =	sadd.s32 s0, s3;
	s0 =	sld [smem:$0x3FAE]  }
0x30: {  	s3 =	sld [smem:$0x3FB1]  }
0x31: {  	[smem:$0x3FBA] =	sst s10  }
0x32: {  	s10 =	sld [smem:$0x3FB8];
	_ =	sdelay $0x3  }
0x33: {  	p0 =	seq.s32 s10, $0x1;
	s10 =	sld [smem:$0x3FBA];
	_ =	sdelay $0x3  }
0x34: {  	[smem:$0x3FBA] =	sst s10  }
0x35: {  	s10 =	sld [smem:$0x3FB9];
	_ =	sdelay $0x3  }
0x36: {  	p1 =	seq.s32 s10, $0x1;
	s10 =	sld [smem:$0x3FBA];
	_ =	sdelay $0x3  }
0x37: {  	[smem:$0x3FBA] =	sst s10  }
0x38: {  	s10 =	sld [smem:$0x3FBB]  }
0x39: {  	_ = 	snop;
	(pc) =	sbr.ind lr, $3  }
0x3a: {  	_ = 	snop  }
0x3b: {  	_ = 	snop  }
0x3c: {  	p2 =	seq.s32 s10, $0x1;
	s10 =	sld [smem:$0x3FBA]  }
0x3d: {  	_ =	shalt  }
0x3e: {  	_ =	shalt  }
0x3f: {  	_ =	shalt  }
0x40: {  	_ =	shalt  }
0x41: {  	_ =	shalt  }
0x42: {  	_ =	shalt  }
0x43: {  	_ =	shalt  }
0x44: {  	_ =	shalt  }
0x45: {  	_ =	shalt  }
0x46: {  	_ =	shalt  }
0x47: {  	_ =	shalt  }
0x48: {  	_ =	shalt  }
0x49: {  	_ =	shalt  }
0x4a: {  	_ =	shalt  }
0x4b: {  	_ =	shalt  }
0x4c: {  	_ =	shalt  }
0x4d: {  	_ =	shalt  }
0x4e: {  	_ =	shalt  }
0x4f: {  	_ =	shalt  }
0x50: {  	_ =	shalt  }
0x51: {  	_ =	shalt  }
0x52: {  	_ =	shalt  }
0x53: {  	_ =	shalt  }
0x54: {  	_ =	shalt  }
0x55: {  	_ =	shalt  }
0x56: {  	_ =	shalt  }
0x57: {  	_ =	shalt  }
0x58: {  	_ =	shalt  }
0x59: {  	_ =	shalt  }
0x5a: {  	_ =	shalt  }
0x5b: {  	_ =	shalt  }
0x5c: {  	_ =	shalt  }
0x5d: {  	_ =	shalt  }
0x5e: {  	_ =	shalt  }
0x5f: {  	_ =	shalt  }
0x60: {  	_ =	shalt  }
0x61: {  	_ =	shalt  }
0x62: {  	_ =	shalt  }
0x63: {  	_ =	shalt  }
0x64: {  	_ =	shalt  }
0x65: {  	_ =	shalt  }
0x66: {  	_ =	shalt  }
0x67: {  	_ =	shalt  }
0x68: {  	_ =	shalt  }
0x69: {  	_ =	shalt  }
0x6a: {  	_ =	shalt  }
0x6b: {  	_ =	shalt  }
0x6c: {  	_ =	shalt  }
0x6d: {  	_ =	shalt  }
0x6e: {  	_ =	shalt  }
0x6f: {  	_ =	shalt  }
0x70: {  	_ =	shalt  }
0x71: {  	_ =	shalt  }
0x72: {  	_ =	shalt  }
0x73: {  	_ =	shalt  }
0x74: {  	_ =	shalt  }
0x75: {  	_ =	shalt  }
0x76: {  	_ =	shalt  }
0x77: {  	_ =	shalt  }
0x78: {  	_ =	shalt  }
0x79: {  	_ =	shalt  }
0x7a: {  	_ =	shalt  }
0x7b: {  	_ =	shalt  }
0x7c: {  	_ =	shalt  }
0x7d: {  	_ =	shalt  }
0x7e: {  	_ =	shalt  }
0x7f: {  	_ =	shalt  }
0x80: {  	_ =	shalt  }
0x81: {  	_ =	shalt  }
0x82: {  	_ =	shalt  }
0x83: {  	_ =	shalt  }
0x84: {  	_ =	shalt  }
0x85: {  	_ =	shalt  }
0x86: {  	_ =	shalt  }
0x87: {  	_ =	shalt  }
.Lfunc_end0:
.L_simem_size_0:
called_computation_lowered:
.L_overlay_start_0:
0x88: {  	s2 =	sld [smem:$0x3FD9]  }
0x89: {  	s3 =	sld [smem:$0x3FFE];
	_ =	sdelay $0x1  }
0x8a: {  	s1 =	srdreg.scid  }
0x8b: {  	s0 =	sand.u32 $0x1, s1  }
0x8c: {  	s17 =	sshll.u32 s0, $0xA;
	s2 =	sadd.s32 s3, s2  }
0x8d: {  	s2 =	sadd.s32 s2, s17  }
0x8e: {  	[smem:$0x3FC6] =	sst s2  }
0x8f: {  	_ = 	snop  }
0x90: {  	s2 =	sld [smem:$0x3FD0];
	(tm) =	ssettm $0x1  }
0x91: {  	s18 =	sld [smem:$0x3FFB];
	_ =	sdelay $0x3  }
0x92: {  	_ =	strace s18  }
0x93: {  	s3 =	sld [smem:$0x3FFC];
	_ =	sdelay $0x3  }
0x94: {  	_ =	strace s3  }
0x95: {  	s3 =	sld [smem:$0x3FFD];
	_ =	sdelay $0x3  }
0x96: {  	_ =	strace s3  }
0x97: {  	_ =	strace $0x8FFFFFFF  }
0x98: {  	s19 =	sld [smem:$0x3FDB];
	_ =	sdelay $0x1  }
0x99: {  	s4 =	simm.s32 $_scs_section_size  }
0x9a: {  	s5 =	simm.s32 $_size__tile_overlayer_lowered;
	s6 =	simm.s32 $_tile_overlayer_lowered  }
0x9b: {  	s22 =	simm.s32 $0x1BFF;
	s21 =	sshll.u32 s6, $0x1;
	s3 =	sadd.s32 s4, s19  }
0x9c: {  	s7 =	simm.s32 $0x0;
	s20 =	sshll.u32 s5, $0x1;
	s5 =	sadd.s32 s21, s3  }
0x9d: {  	[timem:s7], [sflag:s22] =	dma.local [hbm:s5], s20  }
0x9e: {  	_ =	swait.ge [sflag:s22], s20  }
0x9f: {  	s4 =	ssub.s32 $0x0, s20;
	[sflag:s22] =	ssyncset.done $0x0  }
0xa0: {  	[sflag:s22] =	ssyncadd.s32 s4;
	_ =	sdelay $0x1  }
0xa1: {  	s23 =	simm.s32 $0x1B8B  }
0xa2: {  	_ =	swait.ge [sflag:s23], $0x1  }
0xa3: {  	[sflag:s23] =	ssyncset.done $0x0  }
0xa4: {  	s25 =	simm.s32 $0x1B8E;
	s24 =	sld [smem:$0x3FFE];
	[sflag:s23] =	ssyncadd.s32 $0xFFFFFFFF  }
0xa5: {  	s26 =	simm.s32 $execute0_lowered;
	[smem:$0x3FD2] =	sst s25  }
0xa6: {  	s5 =	sshll.u32 s26, $0x1;
	_ =	strace $0x80000046;
	[dreg:$0x1] =	wrdreg $0xFFFFFFFF  }
0xa7: {  	s28 =	simm.s32 $_size_execute0_lowered;
	s3 =	sadd.s32 s3, s5;
	[dreg:$0x0] =	wrdreg $0x0  }
0xa8: {  	s5 =	sshll.u32 s28, $0x1;
	[dreg:$0x2] =	wrdreg s3  }
0xa9: {  	[dreg:$0x3] =	wrdreg s5  }
0xaa: {  	[dreg:$0x4] =	wrdreg $0xC0  }
0xab: {  	_ =	task [dreg:s7], $0x5FFFF  }
0xac: {  	[dreg:$0x1] =	wrdreg $0xFFFFFFFF  }
0xad: {  	[dreg:$0x0] =	wrdreg $0x60  }
0xae: {  	[dreg:$0x2] =	wrdreg s24  }
0xaf: {  	[dreg:$0x3] =	wrdreg s2  }
0xb0: {  	[dreg:$0x4] =	wrdreg $0x9  }
0xb1: {  	_ =	task.clear_ibuf [dreg:s7], $0x5FFFF;
	_ =	strace $0x90000046  }
0xb2: {  	s29 =	simm.s32 $0x9;
	_ =	strace $0x80000048  }
0xb3: {  	_ =	swait.ge [sflag:s29], $0x1  }
0xb4: {  	[sflag:s29] =	ssyncadd.s32 $0xFFFFFFFF  }
0xb5: {  	_ =	strace $0x90000048  }
0xb6: {  	_ =	sfence  }
0xb7: {  	s30 =	sld [smem:$0x0];
	_ =	sdelay $0x2  }
0xb8: {  	s31 =	sshll.u32 s1, $0xD;
	s1 =	sshrl.u32 s1, $0x2  }
0xb9: {  	s3 =	sand.u32 $0x4000, s31;
	s1 =	sadd.s32 s1, s30  }
0xba: {  	s0 =	sor.u32 s3, s0;
	s1 =	sshll.u32 s1, $0x11  }
0xbb: {  	s0 =	sor.u32 s1, s0  }
0xbc: {  	s0 =	sadd.s32 $0x8F2B, s0  }
0xbd: {  	[sflag:s0] =	ssyncadd.remote.s32 $0x1  }
0xbe: {  	_ =	sfence.sel $0xFFFF  }
0xbf: {  	[dreg:$0x0] =	wrdreg $0xFFFFFFFF;
	(pc) =	sbr.abs _section_cstart, $3  }
0xc0: {  	[dreg:$0x1] =	wrdreg $0xFFFFFFFF  }
0xc1: {  	_ =	task.clear_ibuf [dreg:s7], $0x2FFFF;
	_ =	strace $0x9FFFFFFF  }
0xc2: {  	(tm) =	ssettm $0x7FFFFFFF  }
0xc3: {  	_ =	shalt  }
tec
execute0_lowered:
.L_overlay_start_1:
0x0: {  	(tag) =	ssettag $0x1  }
0x1: {  	s5 =	rddreg [dreg:$0x0]  }
0x2: {  	s2 =	rddreg [dreg:$0x1];
	s3 =	srdreg.scid  }
0x3: {  	s0 =	rddreg [dreg:$0x2];
	s1 =	stileid.u32;
	s9 =	simm.s32 $0x1900  }
0x4: {  	s10 =	simm.s32 $0x5900;
	s11 =	simm.s32 $0x12100;
	s12 =	simm.s32 $0x1  }
0x5: {  	s13 =	simm.s32 $0x2;
	s14 =	simm.s32 $0x0;
	s6 =	sand.u32 $0x1, s3  }
0x6: {  	s3 =	simm.s32 $0x0;
	s4 =	sshll.u32 s1, $0x8;
	s7 =	sshll.u32 s6, $0x7  }
0x7: {  	[smem:$0x7FF] =	sst s3;
	s6 =	ssub.s32 $0x2, s6;
	s4 =	sor.u32 s7, s4  }
0x8: {  	_ =	strace $0x80000047;
	s8 =	sshrl.u32 s6, $0x1;
	s7 =	sshll.u32 s4, $0x4  }
0x9: {  	s8 =	ssub.s32 s6, s8;
	s7 =	sadd.s32 s7, s5;
	s5 =	sadd.s32 $0x400, s5  }
0xa: {  	s6 =	sadd.s32 $0x800, s7;
	s7 =	smax.u32 s8, $0x1;
	s8 =	simm.s32 $0x3  }
.LBB2_1:
0xb: {  	[tilespmem:s3], [sflag:$0x3] =	stream.linear.gather [hbm4b:s5+s3], $0x1900, $0x38;
	[tilespmem:$0x1E900] =	vst v63  }
0xc: {  	_ =	swait.ge [sflag:s8], $0x1900  }
0xd: {  	[sflag:s8] =	ssyncset.done $0x0  }
0xe: {  	[sflag:s8] =	ssyncadd.s32 $0xFFFFE700  }
0xf: {  	[tilespmem:s9], [sflag:$0x3] =	stream.linear.gather [hbm4b:s6+s3], $0x4000, $0x38;
	[tilespmem:$0x1E900] =	vst v63  }
0x10: {  	_ =	swait.ge [sflag:s8], $0x4000  }
0x11: {  	[sflag:s8] =	ssyncset.done $0x0  }
0x12: {  	s15 =	simm.s32 $0x0;
	[sflag:s8] =	ssyncadd.s32 $0xFFFFC000  }
.LBB2_2:
0x13: {  	s17 =	sshll.u32 s15, $0x4;
	s19 =	simm.s32 $0x0  }
0x14: {  	s16 =	sshll.u32 s17, $0x7;
	v0 =	vmov s19  }
0x15: {  	v9 =	vmov s16;
	v22 =	vand.u32 $0x7F, v0  }
0x16: {  	v0 =	vadd.s32 v9, v22  }
0x17: {  	p0 =	seq.s32 s15, $0x0;
	v0 =	vbroadcast v0, $0x0  }
0x18: {  	s18 =	simm.s32 @!p0 $0x1  }
0x19: {  	_ =	swait.ge @!p0 [sflag:s18], $0xC800  }
0x1a: {  	[sflag:s18] =	ssyncset.done @!p0 $0x0  }
0x1b: {  	[sflag:s18] =	ssyncadd.s32 @!p0 $0xFFFF3800;
	s18 =	simm.s32 $0x0  }
0x1c: {  	v3 =	vld [tilespmem:s18+$0x0]  }
0x1d: {  	v4 =	vld.idx.msk [tilespmem:v0+s9+$0x0], $0xffff  }
0x1e: {  	v1 =	vld [tilespmem:s18+$0x10]  }
0x1f: {  	s20 =	sor.u32 $0x80, s16;
	v0 =	vld [tilespmem:s18+$0x20]  }
0x20: {  	v11 =	vmov s20;
	v2 =	vld [tilespmem:s18+$0x30]  }
0x21: {  	v5 =	vadd.s32 v11, v22  }
0x22: {  	v5 =	vbroadcast v5, $0x0;
	v6 =	vmul.f32 v4, v3  }
0x23: {  	v7 =	vmul.f32 v4, v1  }
0x24: {  	[tilespmem:s18+$0x5900] =	vst v6;
	v6 =	vmul.f32 v4, v0  }
0x25: {  	[tilespmem:s18+$0x5910] =	vst v7;
	v4 =	vmul.f32 v4, v2  }
0x26: {  	[tilespmem:s18+$0x5920] =	vst v6  }
0x27: {  	[tilespmem:s18+$0x5930] =	vst v4  }
0x28: {  	v4 =	vld.idx.msk [tilespmem:v5+s9+$0x0], $0xffff;
	_ =	sdelay $0x1  }
0x29: {  	s28 =	sor.u32 $0x100, s16  }
0x2a: {  	v13 =	vmov s28  }
0x2b: {  	v5 =	vadd.s32 v13, v22  }
0x2c: {  	v5 =	vbroadcast v5, $0x0;
	v6 =	vmul.f32 v4, v3  }
0x2d: {  	s20 =	sand.u32 $0x1FC0, s19;
	v7 =	vmul.f32 v4, v1  }
0x2e: {  	[tilespmem:s20+$0x7200] =	vst v6;
	v6 =	vmul.f32 v4, v0  }
0x2f: {  	s29 =	simm.s32 $0x1;
	v4 =	vmul.f32 v4, v2;
	[tilespmem:s18+$0x7210] =	vst v7  }
0x30: {  	[tilespmem:s18+$0x7220] =	vst v6;
	v6 =	vmov s29  }
0x31: {  	[tilespmem:s18+$0x7230] =	vst v4;
	v8 =	vand.u32 $0x7F, v6  }
0x32: {  	v6 =	vld.idx.msk [tilespmem:v5+s9+$0x0], $0xffff;
	v4 =	vadd.s32 v9, v8  }
0x33: {  	v5 =	vbroadcast v4, $0x0  }
0x34: {  	s30 =	sor.u32 $0x180, s16  }
0x35: {  	v16 =	vmov s30  }
0x36: {  	v4 =	vadd.s32 v16, v22  }
0x37: {  	s19 =	simm.s32 $0x40;
	v10 =	vbroadcast v4, $0x0;
	v7 =	vmul.f32 v6, v3  }
0x38: {  	v4 =	vld [tilespmem:s19+$0x0];
	v12 =	vmul.f32 v6, v1  }
0x39: {  	[tilespmem:s20+$0x8B00] =	vst v7;
	v7 =	vmul.f32 v6, v0;
	v14 =	vld.idx.msk [tilespmem:v5+s9+$0x0], $0xffff  }
0x3a: {  	v5 =	vld [tilespmem:s19+$0x10];
	[tilespmem:s18+$0x8B10] =	vst v12;
	v12 =	vmul.f32 v6, v2  }
0x3b: {  	v6 =	vld [tilespmem:s19+$0x20];
	[tilespmem:s18+$0x8B20] =	vst v7  }
0x3c: {  	v7 =	vld [tilespmem:s19+$0x30];
	[tilespmem:s18+$0x8B30] =	vst v12  }
0x3d: {  	v12 =	vadd.s32 v11, v8;
	v10 =	vld.idx.msk [tilespmem:v10+s9+$0x0], $0xffff  }
0x3e: {  	v12 =	vbroadcast v12, $0x0;
	v15 =	vmul.f32 v14, v4  }
0x3f: {  	s21 =	sor.u32 $0x200, s16;
	v17 =	vmul.f32 v14, v5  }
0x40: {  	v18 =	vmov s21;
	[tilespmem:s19+$0x5900] =	vst v15;
	v15 =	vmul.f32 v14, v6  }
0x41: {  	[tilespmem:s19+$0x5910] =	vst v17;
	v14 =	vmul.f32 v14, v7;
	v17 =	vadd.s32 v18, v22  }
0x42: {  	v17 =	vbroadcast v17, $0x0;
	[tilespmem:s19+$0x5920] =	vst v15;
	v15 =	vmul.f32 v10, v3  }
0x43: {  	[tilespmem:s19+$0x5930] =	vst v14;
	v14 =	vmul.f32 v10, v1  }
0x44: {  	v12 =	vld.idx.msk [tilespmem:v12+s9+$0x0], $0xffff;
	[tilespmem:s20+$0xA400] =	vst v15;
	v15 =	vmul.f32 v10, v0  }
0x45: {  	v10 =	vmul.f32 v10, v2;
	[tilespmem:s18+$0xA410] =	vst v14  }
0x46: {  	[tilespmem:s18+$0xA420] =	vst v15  }
0x47: {  	[tilespmem:s18+$0xA430] =	vst v10  }
0x48: {  	v10 =	vadd.s32 v13, v8;
	v14 =	vld.idx.msk [tilespmem:v17+s9+$0x0], $0xffff  }
0x49: {  	s23 =	simm.s32 $0x40;
	v17 =	vbroadcast v10, $0x0;
	v15 =	vmul.f32 v12, v4  }
0x4a: {  	s22 =	sor.u32 $0x280, s16;
	s21 =	sand.u32 $0x1FC0, s23;
	v10 =	vmul.f32 v12, v5  }
0x4b: {  	v19 =	vmov s22;
	[tilespmem:s21+$0x7200] =	vst v15;
	v15 =	vmul.f32 v12, v6  }
0x4c: {  	s24 =	simm.s32 $0x2;
	[tilespmem:s19+$0x7210] =	vst v10;
	v10 =	vmul.f32 v12, v7;
	v12 =	vadd.s32 v19, v22  }
0x4d: {  	v20 =	vmov s24;
	[tilespmem:s19+$0x7220] =	vst v15;
	v15 =	vmul.f32 v14, v3;
	v12 =	vbroadcast v12, $0x0  }
0x4e: {  	v21 =	vmul.f32 v14, v1;
	[tilespmem:s19+$0x7230] =	vst v10;
	v10 =	vand.u32 $0x7F, v20  }
0x4f: {  	v17 =	vld.idx.msk [tilespmem:v17+s9+$0x0], $0xffff;
	[tilespmem:s20+$0xBD00] =	vst v15;
	v15 =	vmul.f32 v14, v0;
	v20 =	vadd.s32 v9, v10  }
0x50: {  	v14 =	vmul.f32 v14, v2;
	[tilespmem:s18+$0xBD10] =	vst v21;
	v20 =	vbroadcast v20, $0x0  }
0x51: {  	[tilespmem:s18+$0xBD20] =	vst v15  }
0x52: {  	[tilespmem:s18+$0xBD30] =	vst v14  }
0x53: {  	v21 =	vld.idx.msk [tilespmem:v12+s9+$0x0], $0xffff  }
0x54: {  	s22 =	simm.s32 $0x80;
	v12 =	vadd.s32 v16, v8;
	v14 =	vmul.f32 v17, v4  }
0x55: {  	v23 =	vbroadcast v12, $0x0;
	v15 =	vmul.f32 v17, v5;
	v12 =	vld [tilespmem:s22+$0x0]  }
0x56: {  	s25 =	sor.u32 $0x300, s16;
	[tilespmem:s21+$0x8B00] =	vst v14;
	v14 =	vmul.f32 v17, v6;
	v24 =	vld.idx.msk [tilespmem:v20+s9+$0x0], $0xffff  }
0x57: {  	v17 =	vmul.f32 v17, v7;
	v20 =	vmov s25;
	[tilespmem:s19+$0x8B10] =	vst v15;
	v15 =	vld [tilespmem:s22+$0x10]  }
0x58: {  	v27 =	vadd.s32 v20, v22;
	[tilespmem:s19+$0x8B20] =	vst v14;
	v25 =	vmul.f32 v21, v3;
	v14 =	vld [tilespmem:s22+$0x20]  }
0x59: {  	[tilespmem:s19+$0x8B30] =	vst v17;
	v26 =	vmul.f32 v21, v1;
	v17 =	vld [tilespmem:s22+$0x30];
	v27 =	vbroadcast v27, $0x0  }
0x5a: {  	[tilespmem:s20+$0xD600] =	vst v25;
	v25 =	vmul.f32 v21, v0  }
0x5b: {  	v28 =	vld.idx.msk [tilespmem:v23+s9+$0x0], $0xffff;
	v21 =	vmul.f32 v21, v2;
	[tilespmem:s18+$0xD610] =	vst v26  }
0x5c: {  	v23 =	vadd.s32 v11, v10;
	v26 =	vmul.f32 v24, v12;
	[tilespmem:s18+$0xD620] =	vst v25  }
0x5d: {  	v29 =	vbroadcast v23, $0x0;
	v23 =	vmul.f32 v24, v15;
	[tilespmem:s18+$0xD630] =	vst v21  }
0x5e: {  	[tilespmem:s22+$0x5900] =	vst v26;
	v21 =	vmul.f32 v24, v14;
	v24 =	vmul.f32 v24, v17  }
0x5f: {  	v25 =	vadd.s32 v18, v8;
	[tilespmem:s22+$0x5910] =	vst v23;
	v23 =	vld.idx.msk [tilespmem:v27+s9+$0x0], $0xffff  }
0x60: {  	v26 =	vmul.f32 v28, v4;
	[tilespmem:s22+$0x5930] =	vst v24;
	v24 =	vbroadcast v25, $0x0  }
0x61: {  	s31 =	sor.u32 $0x380, s16;
	[tilespmem:s22+$0x5920] =	vst v21;
	v27 =	vmul.f32 v28, v5  }
0x62: {  	v21 =	vmov s31;
	[tilespmem:s21+$0xA400] =	vst v26;
	v26 =	vmul.f32 v28, v6  }
0x63: {  	s25 =	simm.s32 $0x300;
	v22 =	vadd.s32 v21, v22;
	v25 =	vld.idx.msk [tilespmem:v29+s9+$0x0], $0xffff;
	[tilespmem:s19+$0xA410] =	vst v27;
	v27 =	vmul.f32 v28, v7  }
.LBB2_3:
0x64: {  	p1 =	sne.s32 s25, $0x6300;
	[tilespmem:s19+$0xA420] =	vst v26;
	v26 =	vmul.f32 v23, v3;
	v22 =	vbroadcast v22, $0x0  }
0x65: {  	[tilespmem:s19+$0xA430] =	vst v27;
	v27 =	vmul.f32 v23, v1  }
0x66: {  	v24 =	vld.idx.msk [tilespmem:v24+s9+$0x0], $0xffff;
	[tilespmem:s20+$0xEF00] =	vst v26;
	v26 =	vmul.f32 v23, v0  }
0x67: {  	v28 =	vadd.s32 v13, v10;
	v23 =	vmul.f32 v23, v2;
	[tilespmem:s18+$0xEF10] =	vst v27  }
0x68: {  	s23 =	sadd.s32 $0x40, s23;
	v28 =	vbroadcast v28, $0x0;
	v27 =	vmul.f32 v25, v12;
	[tilespmem:s18+$0xEF20] =	vst v26  }
0x69: {  	s26 =	sand.u32 $0x1FC0, s23;
	v26 =	vmul.f32 v25, v15;
	[tilespmem:s18+$0xEF30] =	vst v23  }
0x6a: {  	v23 =	vmul.f32 v25, v14;
	[tilespmem:s26+$0x7200] =	vst v27;
	v22 =	vld.idx.msk [tilespmem:v22+s9+$0x0], $0xffff  }
0x6b: {  	v25 =	vmul.f32 v25, v17;
	[tilespmem:s22+$0x7210] =	vst v26;
	v26 =	vadd.s32 v19, v8  }
0x6c: {  	s24 =	sadd.s32 $0x1, s24;
	[tilespmem:s22+$0x7220] =	vst v23;
	v23 =	vmul.f32 v24, v4;
	v26 =	vbroadcast v26, $0x0  }
0x6d: {  	v27 =	vmov s24;
	[tilespmem:s22+$0x7230] =	vst v25;
	v25 =	vmul.f32 v24, v5  }
0x6e: {  	v29 =	vand.u32 $0x7F, v27;
	v27 =	vld.idx.msk [tilespmem:v28+s9+$0x0], $0xffff;
	[tilespmem:s21+$0xBD00] =	vst v23;
	v23 =	vmul.f32 v24, v6  }
0x6f: {  	v28 =	vadd.s32 v9, v29;
	v24 =	vmul.f32 v24, v7;
	[tilespmem:s19+$0xBD10] =	vst v25  }
0x70: {  	v25 =	vbroadcast v28, $0x0;
	[tilespmem:s19+$0xBD20] =	vst v23;
	v23 =	vmul.f32 v22, v3;
	v3 =	vmovc v4;
	v4 =	vmov v12  }
0x71: {  	v12 =	vmul.f32 v22, v1;
	v1 =	vmovc v5;
	v5 =	vmov v15;
	[tilespmem:s19+$0xBD30] =	vst v24;
	v24 =	vmul.f32 v22, v2  }
0x72: {  	v15 =	vmul.f32 v22, v0;
	v0 =	vmovc v6;
	v6 =	vmov v14;
	v2 =	vmov v7;
	v26 =	vld.idx.msk [tilespmem:v26+s9+$0x0], $0xffff;
	[tilespmem:s20+$0x10800] =	vst v23;
	s20 =	smov.u32 s21;
	s21 =	smov.u32 s26  }
0x73: {  	v14 =	vadd.s32 v16, v10;
	v7 =	vmov v17;
	[tilespmem:s18+$0x10830] =	vst v24  }
0x74: {  	v22 =	vbroadcast v14, $0x0;
	s26 =	sshra.s32 s25, $0x2;
	v17 =	vmul.f32 v27, v4;
	[tilespmem:s18+$0x10810] =	vst v12  }
0x75: {  	v14 =	vmul.f32 v27, v5;
	v12 =	vld [tilespmem:s26+$0x0];
	[tilespmem:s18+$0x10820] =	vst v15;
	s18 =	smov.u32 s19;
	s19 =	smov.u32 s22;
	s22 =	smov.u32 s26  }
0x76: {  	v24 =	vld.idx.msk [tilespmem:v25+s9+$0x0], $0xffff;
	[tilespmem:s21+$0x8B00] =	vst v17;
	v17 =	vmul.f32 v27, v6  }
0x77: {  	v23 =	vmul.f32 v27, v7;
	v25 =	vadd.s32 v20, v8;
	v15 =	vld [tilespmem:s22+$0x10];
	[tilespmem:s19+$0x8B10] =	vst v14  }
0x78: {  	v27 =	vmul.f32 v26, v3;
	v25 =	vbroadcast v25, $0x0;
	v14 =	vld [tilespmem:s22+$0x20];
	[tilespmem:s19+$0x8B20] =	vst v17  }
0x79: {  	v17 =	vld [tilespmem:s22+$0x30];
	[tilespmem:s19+$0x8B30] =	vst v23;
	v23 =	vmul.f32 v26, v1  }
0x7a: {  	v22 =	vld.idx.msk [tilespmem:v22+s9+$0x0], $0xffff;
	[tilespmem:s20+$0xD600] =	vst v27;
	v27 =	vmul.f32 v26, v0  }
0x7b: {  	v28 =	vadd.s32 v11, v29;
	[tilespmem:s18+$0xD610] =	vst v23;
	v23 =	vmul.f32 v26, v2  }
0x7c: {  	v28 =	vbroadcast v28, $0x0;
	v26 =	vmul.f32 v24, v12;
	[tilespmem:s18+$0xD620] =	vst v27  }
0x7d: {  	v27 =	vmul.f32 v24, v15;
	[tilespmem:s18+$0xD630] =	vst v23  }
0x7e: {  	[tilespmem:s22+$0x5900] =	vst v26;
	v26 =	vmul.f32 v24, v14;
	v23 =	vld.idx.msk [tilespmem:v25+s9+$0x0], $0xffff  }
.Ltmp0:
0x7f: {  	v25 =	vmul.f32 v24, v17;
	v24 =	vadd.s32 v18, v10;
	[tilespmem:s22+$0x5910] =	vst v27;
	(pc) =	sbr.rel @p1 .LBB2_3-.Ltmp0, $4  }
0x80: {  	v24 =	vbroadcast v24, $0x0;
	[tilespmem:s22+$0x5920] =	vst v26;
	v26 =	vmul.f32 v22, v4  }
0x81: {  	v27 =	vmul.f32 v22, v5;
	[tilespmem:s22+$0x5930] =	vst v25  }
0x82: {  	v25 =	vld.idx.msk [tilespmem:v28+s9+$0x0], $0xffff;
	[tilespmem:s21+$0xA400] =	vst v26;
	v26 =	vmul.f32 v22, v6  }
0x83: {  	s25 =	sadd.s32 $0x100, s25;
	[tilespmem:s19+$0xA410] =	vst v27;
	v27 =	vmul.f32 v22, v7;
	v22 =	vadd.s32 v21, v8;
	v8 =	vmovc v10;
	v10 =	vmov v29  }
0x84: {  	_ =	sdelay $0x1  }
0x85: {  	v9 =	vadd.s32 v13, v10  }
0x86: {  	s23 =	sadd.s32 $0x40, s23;
	v9 =	vbroadcast v9, $0x0;
	v11 =	vmul.f32 v25, v12  }
0x87: {  	s23 =	sand.u32 $0x1FC0, s23;
	v13 =	vmul.f32 v25, v15  }
0x88: {  	[tilespmem:s23+$0x7200] =	vst v11;
	v11 =	vmul.f32 v25, v14  }
0x89: {  	[tilespmem:s22+$0x7210] =	vst v13;
	v13 =	vmul.f32 v25, v17  }
0x8a: {  	[tilespmem:s22+$0x7220] =	vst v11  }
0x8b: {  	[tilespmem:s22+$0x7230] =	vst v13  }
0x8c: {  	v9 =	vld.idx.msk [tilespmem:v9+s9+$0x0], $0xffff;
	_ =	sdelay $0x3  }
0x8d: {  	v11 =	vadd.s32 v16, v10  }
0x8e: {  	v11 =	vbroadcast v11, $0x0;
	v13 =	vmul.f32 v9, v12  }
0x8f: {  	v16 =	vmul.f32 v9, v15  }
0x90: {  	[tilespmem:s23+$0x8B00] =	vst v13;
	v13 =	vmul.f32 v9, v14  }
0x91: {  	v9 =	vmul.f32 v9, v17;
	[tilespmem:s22+$0x8B10] =	vst v16  }
0x92: {  	[tilespmem:s22+$0x8B20] =	vst v13  }
0x93: {  	[tilespmem:s22+$0x8B30] =	vst v9  }
0x94: {  	v9 =	vld.idx.msk [tilespmem:v11+s9+$0x0], $0xffff;
	_ =	sdelay $0x3  }
0x95: {  	v11 =	vadd.s32 v18, v10  }
0x96: {  	[tilespmem:s19+$0xA420] =	vst v26;
	v11 =	vbroadcast v11, $0x0;
	v13 =	vmul.f32 v9, v12  }
0x97: {  	[tilespmem:s19+$0xA430] =	vst v27;
	v16 =	vmul.f32 v9, v15  }
0x98: {  	v18 =	vld.idx.msk [tilespmem:v24+s9+$0x0], $0xffff;
	[tilespmem:s23+$0xA400] =	vst v13;
	v13 =	vmul.f32 v9, v14  }
0x99: {  	v9 =	vmul.f32 v9, v17;
	[tilespmem:s22+$0xA410] =	vst v16  }
0x9a: {  	[tilespmem:s22+$0xA420] =	vst v13  }
0x9b: {  	[tilespmem:s22+$0xA430] =	vst v9  }
0x9c: {  	v9 =	vmul.f32 v23, v3;
	v13 =	vadd.s32 v19, v8;
	v11 =	vld.idx.msk [tilespmem:v11+s9+$0x0], $0xffff  }
0x9d: {  	v16 =	vmul.f32 v18, v4;
	v13 =	vbroadcast v13, $0x0  }
0x9e: {  	[tilespmem:s20+$0xEF00] =	vst v9;
	v9 =	vmul.f32 v18, v5  }
0x9f: {  	[tilespmem:s21+$0xBD00] =	vst v16;
	v16 =	vmul.f32 v18, v6  }
0xa0: {  	[tilespmem:s19+$0xBD10] =	vst v9;
	v9 =	vmul.f32 v18, v7;
	v18 =	vadd.s32 v19, v10  }
0xa1: {  	[tilespmem:s19+$0xBD20] =	vst v16;
	v18 =	vbroadcast v18, $0x0;
	v16 =	vmul.f32 v11, v12  }
0xa2: {  	[tilespmem:s19+$0xBD30] =	vst v9;
	v9 =	vmul.f32 v11, v15  }
0xa3: {  	v13 =	vld.idx.msk [tilespmem:v13+s9+$0x0], $0xffff;
	[tilespmem:s23+$0xBD00] =	vst v16;
	v16 =	vmul.f32 v11, v14  }
0xa4: {  	[tilespmem:s22+$0xBD10] =	vst v9;
	v9 =	vmul.f32 v11, v17  }
0xa5: {  	v11 =	vmul.f32 v23, v1;
	[tilespmem:s22+$0xBD20] =	vst v16  }
0xa6: {  	v16 =	vmul.f32 v23, v0;
	[tilespmem:s22+$0xBD30] =	vst v9  }
0xa7: {  	v19 =	vadd.s32 v20, v8;
	v9 =	vbroadcast v22, $0x0;
	[tilespmem:s18+$0xEF10] =	vst v11;
	v11 =	vmul.f32 v23, v2;
	v18 =	vld.idx.msk [tilespmem:v18+s9+$0x0], $0xffff  }
0xa8: {  	v19 =	vbroadcast v19, $0x0;
	[tilespmem:s18+$0xEF20] =	vst v16;
	v16 =	vmul.f32 v13, v4  }
0xa9: {  	[tilespmem:s18+$0xEF30] =	vst v11;
	v11 =	vmul.f32 v13, v5  }
0xaa: {  	[tilespmem:s21+$0xD600] =	vst v16;
	v16 =	vmul.f32 v13, v6  }
0xab: {  	[tilespmem:s19+$0xD610] =	vst v11;
	v11 =	vmul.f32 v13, v7;
	v13 =	vadd.s32 v20, v10  }
0xac: {  	[tilespmem:s19+$0xD620] =	vst v16;
	v13 =	vbroadcast v13, $0x0;
	v16 =	vmul.f32 v18, v12  }
0xad: {  	v9 =	vld.idx.msk [tilespmem:v9+s9+$0x0], $0xffff;
	[tilespmem:s19+$0xD630] =	vst v11;
	v11 =	vmul.f32 v18, v15  }
0xae: {  	v19 =	vld.idx.msk [tilespmem:v19+s9+$0x0], $0xffff;
	[tilespmem:s23+$0xD600] =	vst v16;
	v16 =	vmul.f32 v18, v14  }
0xaf: {  	[tilespmem:s22+$0xD610] =	vst v11;
	v11 =	vmul.f32 v18, v17  }
0xb0: {  	[tilespmem:s22+$0xD620] =	vst v16  }
0xb1: {  	[tilespmem:s22+$0xD630] =	vst v11  }
0xb2: {  	v8 =	vadd.s32 v21, v8;
	v3 =	vmul.f32 v9, v3;
	v11 =	vld.idx.msk [tilespmem:v13+s9+$0x0], $0xffff  }
0xb3: {  	v8 =	vbroadcast v8, $0x0;
	v13 =	vmul.f32 v19, v4  }
0xb4: {  	[tilespmem:s20+$0x10800] =	vst v3;
	v3 =	vmul.f32 v19, v5  }
0xb5: {  	[tilespmem:s21+$0xEF00] =	vst v13;
	v13 =	vmul.f32 v19, v6  }
0xb6: {  	v10 =	vadd.s32 v21, v10;
	[tilespmem:s19+$0xEF10] =	vst v3;
	v3 =	vmul.f32 v19, v7  }
0xb7: {  	v10 =	vbroadcast v10, $0x0;
	[tilespmem:s19+$0xEF20] =	vst v13;
	v13 =	vmul.f32 v11, v12  }
0xb8: {  	[tilespmem:s19+$0xEF30] =	vst v3;
	v3 =	vmul.f32 v11, v15  }
0xb9: {  	v8 =	vld.idx.msk [tilespmem:v8+s9+$0x0], $0xffff;
	[tilespmem:s23+$0xEF00] =	vst v13;
	v13 =	vmul.f32 v11, v14  }
0xba: {  	[tilespmem:s22+$0xEF10] =	vst v3;
	v3 =	vmul.f32 v11, v17  }
0xbb: {  	v2 =	vmul.f32 v9, v2;
	[tilespmem:s22+$0xEF20] =	vst v13  }
0xbc: {  	v1 =	vmul.f32 v9, v1;
	[tilespmem:s22+$0xEF30] =	vst v3  }
0xbd: {  	v0 =	vmul.f32 v9, v0;
	[tilespmem:s18+$0x10830] =	vst v2;
	v2 =	vld.idx.msk [tilespmem:v10+s9+$0x0], $0xffff  }
0xbe: {  	[tilespmem:s18+$0x10810] =	vst v1;
	v1 =	vmul.f32 v8, v4  }
0xbf: {  	[tilespmem:s18+$0x10820] =	vst v0;
	v0 =	vmul.f32 v8, v7  }
0xc0: {  	v3 =	vmul.f32 v8, v5;
	[tilespmem:s21+$0x10800] =	vst v1  }
0xc1: {  	v1 =	vmul.f32 v8, v6;
	[tilespmem:s19+$0x10830] =	vst v0  }
0xc2: {  	[tilespmem:s19+$0x10810] =	vst v3;
	v0 =	vmul.f32 v2, v12  }
0xc3: {  	[tilespmem:s19+$0x10820] =	vst v1;
	v1 =	vmul.f32 v2, v17  }
0xc4: {  	s20 =	sadd.s32 s4, s17;
	s17 =	sor.u32 $0x8, s17;
	s21 =	simm.s32 $0x0;
	v3 =	vmul.f32 v2, v15;
	[tilespmem:s23+$0x10800] =	vst v0  }
0xc5: {  	s18 =	smul.u32 $0x320, s20;
	v0 =	vmul.f32 v2, v14;
	s23 =	sshll.u32 s17, $0x7;
	[tilespmem:s22+$0x10830] =	vst v1;
	v1 =	vmov s21  }
0xc6: {  	[tilespmem:s22+$0x10810] =	vst v3;
	v9 =	vmov s23;
	v22 =	vand.u32 $0x7F, v1  }
0xc7: {  	s18 =	sadd.s32 s2, s18;
	[tilespmem:s22+$0x10820] =	vst v0;
	v0 =	vadd.s32 v9, v22  }
0xc8: {  	[hbm4b:s18+s3] =	stream.linear.scatter [tilespmem:s10], [sflag:$0x1], $0xC800, $0x38;
	v0 =	vbroadcast v0, $0x0;
	[tilespmem:$0x1E900] =	vst v63  }
0xc9: {  	s18 =	simm.s32 @!p0 $0x2  }
0xca: {  	_ =	swait.ge @!p0 [sflag:s18], $0xC800  }
0xcb: {  	[sflag:s18] =	ssyncset.done @!p0 $0x0  }
0xcc: {  	[sflag:s18] =	ssyncadd.s32 @!p0 $0xFFFF3800;
	s18 =	simm.s32 $0x0  }
0xcd: {  	v3 =	vld [tilespmem:s18+$0x0]  }
0xce: {  	v4 =	vld.idx.msk [tilespmem:v0+s9+$0x0], $0xffff  }
0xcf: {  	v1 =	vld [tilespmem:s18+$0x10]  }
0xd0: {  	s24 =	sor.u32 $0x480, s16;
	v0 =	vld [tilespmem:s18+$0x20]  }
0xd1: {  	v11 =	vmov s24;
	v2 =	vld [tilespmem:s18+$0x30]  }
0xd2: {  	v5 =	vadd.s32 v11, v22  }
0xd3: {  	v5 =	vbroadcast v5, $0x0;
	v6 =	vmul.f32 v4, v3  }
0xd4: {  	v7 =	vmul.f32 v4, v1  }
0xd5: {  	[tilespmem:s18+$0x12100] =	vst v6;
	v6 =	vmul.f32 v4, v0  }
0xd6: {  	[tilespmem:s18+$0x12110] =	vst v7;
	v4 =	vmul.f32 v4, v2  }
0xd7: {  	[tilespmem:s18+$0x12120] =	vst v6  }
0xd8: {  	[tilespmem:s18+$0x12130] =	vst v4  }
0xd9: {  	v4 =	vld.idx.msk [tilespmem:v5+s9+$0x0], $0xffff;
	_ =	sdelay $0x1  }
0xda: {  	s25 =	sor.u32 $0x500, s16  }
0xdb: {  	v13 =	vmov s25  }
0xdc: {  	v5 =	vadd.s32 v13, v22  }
0xdd: {  	v5 =	vbroadcast v5, $0x0;
	v6 =	vmul.f32 v4, v3  }
0xde: {  	s20 =	sand.u32 $0x1FC0, s21;
	v7 =	vmul.f32 v4, v1  }
0xdf: {  	[tilespmem:s20+$0x13A00] =	vst v6;
	v6 =	vmul.f32 v4, v0  }
0xe0: {  	s26 =	simm.s32 $0x1;
	v4 =	vmul.f32 v4, v2;
	[tilespmem:s18+$0x13A10] =	vst v7  }
0xe1: {  	[tilespmem:s18+$0x13A20] =	vst v6;
	v6 =	vmov s26  }
0xe2: {  	[tilespmem:s18+$0x13A30] =	vst v4;
	v8 =	vand.u32 $0x7F, v6  }
0xe3: {  	v6 =	vld.idx.msk [tilespmem:v5+s9+$0x0], $0xffff;
	v4 =	vadd.s32 v9, v8  }
0xe4: {  	v5 =	vbroadcast v4, $0x0  }
0xe5: {  	s28 =	sor.u32 $0x580, s16  }
0xe6: {  	v16 =	vmov s28  }
0xe7: {  	v4 =	vadd.s32 v16, v22  }
0xe8: {  	s19 =	simm.s32 $0x40;
	v10 =	vbroadcast v4, $0x0;
	v7 =	vmul.f32 v6, v3  }
0xe9: {  	v4 =	vld [tilespmem:s19+$0x0];
	v12 =	vmul.f32 v6, v1  }
0xea: {  	[tilespmem:s20+$0x15300] =	vst v7;
	v7 =	vmul.f32 v6, v0;
	v14 =	vld.idx.msk [tilespmem:v5+s9+$0x0], $0xffff  }
0xeb: {  	v5 =	vld [tilespmem:s19+$0x10];
	[tilespmem:s18+$0x15310] =	vst v12;
	v12 =	vmul.f32 v6, v2  }
0xec: {  	v6 =	vld [tilespmem:s19+$0x20];
	[tilespmem:s18+$0x15320] =	vst v7  }
0xed: {  	v7 =	vld [tilespmem:s19+$0x30];
	[tilespmem:s18+$0x15330] =	vst v12  }
0xee: {  	v12 =	vadd.s32 v11, v8;
	v10 =	vld.idx.msk [tilespmem:v10+s9+$0x0], $0xffff  }
0xef: {  	v12 =	vbroadcast v12, $0x0;
	v15 =	vmul.f32 v14, v4  }
0xf0: {  	s29 =	sor.u32 $0x600, s16;
	v17 =	vmul.f32 v14, v5  }
0xf1: {  	v18 =	vmov s29;
	[tilespmem:s19+$0x12100] =	vst v15;
	v15 =	vmul.f32 v14, v6  }
0xf2: {  	[tilespmem:s19+$0x12110] =	vst v17;
	v14 =	vmul.f32 v14, v7;
	v17 =	vadd.s32 v18, v22  }
0xf3: {  	v17 =	vbroadcast v17, $0x0;
	[tilespmem:s19+$0x12120] =	vst v15;
	v15 =	vmul.f32 v10, v3  }
0xf4: {  	[tilespmem:s19+$0x12130] =	vst v14;
	v14 =	vmul.f32 v10, v1  }
0xf5: {  	v12 =	vld.idx.msk [tilespmem:v12+s9+$0x0], $0xffff;
	[tilespmem:s20+$0x16C00] =	vst v15;
	v15 =	vmul.f32 v10, v0  }
0xf6: {  	v10 =	vmul.f32 v10, v2;
	[tilespmem:s18+$0x16C10] =	vst v14  }
0xf7: {  	[tilespmem:s18+$0x16C20] =	vst v15  }
0xf8: {  	[tilespmem:s18+$0x16C30] =	vst v10  }
0xf9: {  	v10 =	vadd.s32 v13, v8;
	v14 =	vld.idx.msk [tilespmem:v17+s9+$0x0], $0xffff  }
0xfa: {  	s23 =	simm.s32 $0x40;
	v17 =	vbroadcast v10, $0x0;
	v15 =	vmul.f32 v12, v4  }
0xfb: {  	s30 =	sor.u32 $0x680, s16;
	s21 =	sand.u32 $0x1FC0, s23;
	v10 =	vmul.f32 v12, v5  }
0xfc: {  	v19 =	vmov s30;
	[tilespmem:s21+$0x13A00] =	vst v15;
	v15 =	vmul.f32 v12, v6  }
0xfd: {  	[tilespmem:s19+$0x13A10] =	vst v10;
	v10 =	vmul.f32 v12, v7;
	v12 =	vadd.s32 v19, v22  }
0xfe: {  	s24 =	simm.s32 $0x2;
	[tilespmem:s19+$0x13A20] =	vst v15;
	v15 =	vmul.f32 v14, v3;
	v12 =	vbroadcast v12, $0x0  }
0xff: {  	v20 =	vmov s24;
	v21 =	vmul.f32 v14, v1;
	[tilespmem:s19+$0x13A30] =	vst v10  }
0x100: {  	v10 =	vand.u32 $0x7F, v20;
	v17 =	vld.idx.msk [tilespmem:v17+s9+$0x0], $0xffff;
	[tilespmem:s20+$0x18500] =	vst v15;
	v15 =	vmul.f32 v14, v0  }
0x101: {  	v20 =	vadd.s32 v9, v10;
	v14 =	vmul.f32 v14, v2;
	[tilespmem:s18+$0x18510] =	vst v21  }
0x102: {  	v20 =	vbroadcast v20, $0x0;
	[tilespmem:s18+$0x18520] =	vst v15  }
0x103: {  	[tilespmem:s18+$0x18530] =	vst v14  }
0x104: {  	v21 =	vld.idx.msk [tilespmem:v12+s9+$0x0], $0xffff  }
0x105: {  	v12 =	vadd.s32 v16, v8;
	v14 =	vmul.f32 v17, v4  }
0x106: {  	s22 =	simm.s32 $0x80;
	v23 =	vbroadcast v12, $0x0;
	v15 =	vmul.f32 v17, v5  }
0x107: {  	s25 =	sor.u32 $0x700, s16;
	v12 =	vld [tilespmem:s22+$0x0];
	v24 =	vmul.f32 v17, v6;
	[tilespmem:s21+$0x15300] =	vst v14  }
0x108: {  	v17 =	vmul.f32 v17, v7;
	v25 =	vld.idx.msk [tilespmem:v20+s9+$0x0], $0xffff;
	v20 =	vmov s25;
	[tilespmem:s19+$0x15310] =	vst v15  }
0x109: {  	v14 =	vld [tilespmem:s22+$0x10];
	[tilespmem:s19+$0x15320] =	vst v24;
	v27 =	vadd.s32 v20, v22;
	v24 =	vmul.f32 v21, v3  }
0x10a: {  	[tilespmem:s19+$0x15330] =	vst v17;
	v17 =	vld [tilespmem:s22+$0x30];
	v26 =	vmul.f32 v21, v1;
	v27 =	vbroadcast v27, $0x0  }
0x10b: {  	v15 =	vld [tilespmem:s22+$0x20];
	[tilespmem:s20+$0x19E00] =	vst v24;
	v24 =	vmul.f32 v21, v0  }
0x10c: {  	v28 =	vld.idx.msk [tilespmem:v23+s9+$0x0], $0xffff;
	v21 =	vmul.f32 v21, v2;
	[tilespmem:s18+$0x19E10] =	vst v26  }
0x10d: {  	v23 =	vadd.s32 v11, v10;
	v26 =	vmul.f32 v25, v12;
	[tilespmem:s18+$0x19E20] =	vst v24  }
0x10e: {  	v29 =	vbroadcast v23, $0x0;
	v23 =	vmul.f32 v25, v14;
	[tilespmem:s18+$0x19E30] =	vst v21  }
0x10f: {  	v24 =	vmul.f32 v25, v17;
	[tilespmem:s22+$0x12100] =	vst v26  }
0x110: {  	v21 =	vmul.f32 v25, v15;
	v25 =	vadd.s32 v18, v8;
	[tilespmem:s22+$0x12110] =	vst v23;
	v23 =	vld.idx.msk [tilespmem:v27+s9+$0x0], $0xffff  }
0x111: {  	[tilespmem:s22+$0x12130] =	vst v24;
	v24 =	vbroadcast v25, $0x0;
	v26 =	vmul.f32 v28, v4  }
0x112: {  	s31 =	sor.u32 $0x780, s16;
	[tilespmem:s22+$0x12120] =	vst v21;
	v27 =	vmul.f32 v28, v5  }
0x113: {  	v21 =	vmov s31;
	[tilespmem:s21+$0x16C00] =	vst v26;
	v26 =	vmul.f32 v28, v6  }
0x114: {  	s16 =	simm.s32 $0x300;
	v22 =	vadd.s32 v21, v22;
	v25 =	vld.idx.msk [tilespmem:v29+s9+$0x0], $0xffff;
	[tilespmem:s19+$0x16C10] =	vst v27;
	v27 =	vmul.f32 v28, v7  }
.LBB2_5:
0x115: {  	p0 =	sne.s32 s16, $0x6300;
	[tilespmem:s19+$0x16C20] =	vst v26;
	v26 =	vmul.f32 v23, v3;
	v22 =	vbroadcast v22, $0x0  }
0x116: {  	[tilespmem:s19+$0x16C30] =	vst v27;
	v27 =	vmul.f32 v23, v1  }
0x117: {  	v24 =	vld.idx.msk [tilespmem:v24+s9+$0x0], $0xffff;
	[tilespmem:s20+$0x1B700] =	vst v26;
	v26 =	vmul.f32 v23, v0  }
0x118: {  	v28 =	vadd.s32 v13, v10;
	v23 =	vmul.f32 v23, v2;
	[tilespmem:s18+$0x1B710] =	vst v27  }
0x119: {  	s23 =	sadd.s32 $0x40, s23;
	v28 =	vbroadcast v28, $0x0;
	v27 =	vmul.f32 v25, v12;
	[tilespmem:s18+$0x1B720] =	vst v26  }
0x11a: {  	s25 =	sand.u32 $0x1FC0, s23;
	v26 =	vmul.f32 v25, v14;
	[tilespmem:s18+$0x1B730] =	vst v23  }
0x11b: {  	v23 =	vmul.f32 v25, v15;
	[tilespmem:s25+$0x13A00] =	vst v27;
	v22 =	vld.idx.msk [tilespmem:v22+s9+$0x0], $0xffff  }
0x11c: {  	v25 =	vmul.f32 v25, v17;
	[tilespmem:s22+$0x13A10] =	vst v26;
	v26 =	vadd.s32 v19, v8  }
0x11d: {  	s24 =	sadd.s32 $0x1, s24;
	[tilespmem:s22+$0x13A20] =	vst v23;
	v23 =	vmul.f32 v24, v4;
	v26 =	vbroadcast v26, $0x0  }
0x11e: {  	v27 =	vmov s24;
	[tilespmem:s22+$0x13A30] =	vst v25;
	v25 =	vmul.f32 v24, v5  }
0x11f: {  	v29 =	vand.u32 $0x7F, v27;
	v27 =	vld.idx.msk [tilespmem:v28+s9+$0x0], $0xffff;
	[tilespmem:s21+$0x18500] =	vst v23;
	v23 =	vmul.f32 v24, v6  }
0x120: {  	v28 =	vadd.s32 v9, v29;
	v24 =	vmul.f32 v24, v7;
	[tilespmem:s19+$0x18510] =	vst v25  }
0x121: {  	v25 =	vbroadcast v28, $0x0;
	[tilespmem:s19+$0x18520] =	vst v23;
	v23 =	vmul.f32 v22, v3;
	v3 =	vmovc v4;
	v4 =	vmov v12  }
0x122: {  	v12 =	vmul.f32 v22, v1;
	v1 =	vmovc v5;
	v5 =	vmov v14;
	[tilespmem:s19+$0x18530] =	vst v24;
	v24 =	vmul.f32 v22, v2  }
0x123: {  	v14 =	vmul.f32 v22, v0;
	v0 =	vmovc v6;
	v6 =	vmov v15;
	v2 =	vmov v7;
	v26 =	vld.idx.msk [tilespmem:v26+s9+$0x0], $0xffff;
	[tilespmem:s20+$0x1D000] =	vst v23;
	s20 =	smov.u32 s21;
	s21 =	smov.u32 s25  }
0x124: {  	v15 =	vadd.s32 v16, v10;
	v7 =	vmov v17;
	[tilespmem:s18+$0x1D030] =	vst v24  }
0x125: {  	v22 =	vbroadcast v15, $0x0;
	s25 =	sshra.s32 s16, $0x2;
	v17 =	vmul.f32 v27, v4;
	[tilespmem:s18+$0x1D010] =	vst v12  }
0x126: {  	v15 =	vmul.f32 v27, v5;
	v12 =	vld [tilespmem:s25+$0x0];
	[tilespmem:s18+$0x1D020] =	vst v14;
	s18 =	smov.u32 s19;
	s19 =	smov.u32 s22;
	s22 =	smov.u32 s25  }
0x127: {  	v24 =	vld.idx.msk [tilespmem:v25+s9+$0x0], $0xffff;
	[tilespmem:s21+$0x15300] =	vst v17;
	v17 =	vmul.f32 v27, v6  }
0x128: {  	v23 =	vmul.f32 v27, v7;
	v25 =	vadd.s32 v20, v8;
	v14 =	vld [tilespmem:s22+$0x10];
	[tilespmem:s19+$0x15310] =	vst v15  }
0x129: {  	v27 =	vmul.f32 v26, v3;
	v25 =	vbroadcast v25, $0x0;
	v15 =	vld [tilespmem:s22+$0x20];
	[tilespmem:s19+$0x15320] =	vst v17  }
0x12a: {  	v17 =	vld [tilespmem:s22+$0x30];
	[tilespmem:s19+$0x15330] =	vst v23;
	v23 =	vmul.f32 v26, v1  }
0x12b: {  	v22 =	vld.idx.msk [tilespmem:v22+s9+$0x0], $0xffff;
	[tilespmem:s20+$0x19E00] =	vst v27;
	v27 =	vmul.f32 v26, v0  }
0x12c: {  	v28 =	vadd.s32 v11, v29;
	[tilespmem:s18+$0x19E10] =	vst v23;
	v23 =	vmul.f32 v26, v2  }
0x12d: {  	v28 =	vbroadcast v28, $0x0;
	v26 =	vmul.f32 v24, v12;
	[tilespmem:s18+$0x19E20] =	vst v27  }
0x12e: {  	v27 =	vmul.f32 v24, v14;
	[tilespmem:s18+$0x19E30] =	vst v23  }
0x12f: {  	[tilespmem:s22+$0x12100] =	vst v26;
	v26 =	vmul.f32 v24, v15;
	v23 =	vld.idx.msk [tilespmem:v25+s9+$0x0], $0xffff  }
.Ltmp1:
0x130: {  	v25 =	vmul.f32 v24, v17;
	v24 =	vadd.s32 v18, v10;
	[tilespmem:s22+$0x12110] =	vst v27;
	(pc) =	sbr.rel @p0 .LBB2_5-.Ltmp1, $4  }
0x131: {  	v24 =	vbroadcast v24, $0x0;
	[tilespmem:s22+$0x12120] =	vst v26;
	v26 =	vmul.f32 v22, v4  }
0x132: {  	v27 =	vmul.f32 v22, v5;
	[tilespmem:s22+$0x12130] =	vst v25  }
0x133: {  	v25 =	vld.idx.msk [tilespmem:v28+s9+$0x0], $0xffff;
	[tilespmem:s21+$0x16C00] =	vst v26;
	v26 =	vmul.f32 v22, v6  }
0x134: {  	s16 =	sadd.s32 $0x100, s16;
	[tilespmem:s19+$0x16C10] =	vst v27;
	v27 =	vmul.f32 v22, v7;
	v22 =	vadd.s32 v21, v8;
	v8 =	vmovc v10;
	v10 =	vmov v29  }
0x135: {  	_ =	sdelay $0x1  }
0x136: {  	v9 =	vadd.s32 v13, v10  }
0x137: {  	s16 =	sadd.s32 $0x40, s23;
	v9 =	vbroadcast v9, $0x0;
	v11 =	vmul.f32 v25, v12  }
0x138: {  	s16 =	sand.u32 $0x1FC0, s16;
	v44 =	vmul.f32 v25, v14  }
0x139: {  	v45 =	vmul.f32 v25, v15;
	[tilespmem:s16+$0x13A00] =	vst v11  }
0x13a: {  	v46 =	vmul.f32 v25, v17;
	[tilespmem:s22+$0x13A10] =	vst v44  }
0x13b: {  	[tilespmem:s22+$0x13A20] =	vst v45  }
0x13c: {  	[tilespmem:s22+$0x13A30] =	vst v46  }
0x13d: {  	v9 =	vld.idx.msk [tilespmem:v9+s9+$0x0], $0xffff;
	_ =	sdelay $0x3  }
0x13e: {  	v47 =	vadd.s32 v16, v10  }
0x13f: {  	v11 =	vbroadcast v47, $0x0;
	v48 =	vmul.f32 v9, v12  }
0x140: {  	v49 =	vmul.f32 v9, v14  }
0x141: {  	v50 =	vmul.f32 v9, v15;
	[tilespmem:s16+$0x15300] =	vst v48  }
0x142: {  	v9 =	vmul.f32 v9, v17;
	[tilespmem:s22+$0x15310] =	vst v49  }
0x143: {  	[tilespmem:s22+$0x15320] =	vst v50  }
0x144: {  	[tilespmem:s22+$0x15330] =	vst v9  }
0x145: {  	v9 =	vld.idx.msk [tilespmem:v11+s9+$0x0], $0xffff;
	_ =	sdelay $0x3  }
0x146: {  	v51 =	vadd.s32 v18, v10;
	[tilespmem:s19+$0x16C20] =	vst v26  }
0x147: {  	[tilespmem:s19+$0x16C30] =	vst v27;
	v11 =	vbroadcast v51, $0x0;
	v52 =	vmul.f32 v9, v12  }
0x148: {  	v54 =	vld.idx.msk [tilespmem:v24+s9+$0x0], $0xffff;
	v53 =	vmul.f32 v9, v14  }
0x149: {  	v55 =	vmul.f32 v9, v15;
	[tilespmem:s16+$0x16C00] =	vst v52  }
0x14a: {  	v9 =	vmul.f32 v9, v17;
	[tilespmem:s22+$0x16C10] =	vst v53  }
0x14b: {  	[tilespmem:s22+$0x16C20] =	vst v55  }
0x14c: {  	v57 =	vadd.s32 v19, v8;
	[tilespmem:s22+$0x16C30] =	vst v9  }
0x14d: {  	v13 =	vbroadcast v57, $0x0;
	v58 =	vmul.f32 v54, v4;
	v11 =	vld.idx.msk [tilespmem:v11+s9+$0x0], $0xffff  }
0x14e: {  	v59 =	vmul.f32 v54, v5  }
0x14f: {  	v60 =	vmul.f32 v54, v6;
	[tilespmem:s21+$0x18500] =	vst v58  }
0x150: {  	v61 =	vmul.f32 v54, v7;
	[tilespmem:s19+$0x18510] =	vst v59  }
0x151: {  	v56 =	vmul.f32 v23, v3;
	v62 =	vadd.s32 v19, v10;
	[tilespmem:s19+$0x18520] =	vst v60  }
0x152: {  	v18 =	vbroadcast v62, $0x0;
	[tilespmem:s19+$0x18530] =	vst v61;
	v63 =	vmul.f32 v11, v12  }
0x153: {  	[tilespmem:s20+$0x1B700] =	vst v56;
	v13 =	vld.idx.msk [tilespmem:v13+s9+$0x0], $0xffff;
	v24 =	vmul.f32 v11, v14  }
0x154: {  	v25 =	vmul.f32 v11, v15;
	[tilespmem:s16+$0x18500] =	vst v63  }
0x155: {  	v26 =	vmul.f32 v11, v17;
	[tilespmem:s22+$0x18510] =	vst v24  }
0x156: {  	v27 =	vmul.f32 v23, v1;
	[tilespmem:s22+$0x18520] =	vst v25  }
0x157: {  	v28 =	vmul.f32 v23, v0;
	v31 =	vadd.s32 v20, v8;
	[tilespmem:s22+$0x18530] =	vst v26  }
0x158: {  	v19 =	vbroadcast v31, $0x0;
	[tilespmem:s18+$0x1B710] =	vst v27;
	v32 =	vmul.f32 v13, v4;
	v18 =	vld.idx.msk [tilespmem:v18+s9+$0x0], $0xffff  }
0x159: {  	[tilespmem:s18+$0x1B720] =	vst v28;
	v33 =	vmul.f32 v13, v5  }
0x15a: {  	v34 =	vmul.f32 v13, v6;
	[tilespmem:s21+$0x19E00] =	vst v32  }
0x15b: {  	v35 =	vmul.f32 v13, v7;
	[tilespmem:s19+$0x19E10] =	vst v33  }
0x15c: {  	v29 =	vbroadcast v22, $0x0;
	v30 =	vmul.f32 v23, v2;
	v36 =	vadd.s32 v20, v10;
	[tilespmem:s19+$0x19E20] =	vst v34  }
0x15d: {  	v13 =	vbroadcast v36, $0x0;
	[tilespmem:s19+$0x19E30] =	vst v35;
	v37 =	vmul.f32 v18, v12  }
0x15e: {  	[tilespmem:s18+$0x1B730] =	vst v30;
	v19 =	vld.idx.msk [tilespmem:v19+s9+$0x0], $0xffff;
	v38 =	vmul.f32 v18, v14  }
0x15f: {  	v39 =	vmul.f32 v18, v15;
	[tilespmem:s16+$0x19E00] =	vst v37  }
0x160: {  	v40 =	vmul.f32 v18, v17;
	[tilespmem:s22+$0x19E10] =	vst v38  }
0x161: {  	[tilespmem:s22+$0x19E20] =	vst v39  }
0x162: {  	v9 =	vld.idx.msk [tilespmem:v29+s9+$0x0], $0xffff;
	[tilespmem:s22+$0x19E30] =	vst v40  }
0x163: {  	v42 =	vadd.s32 v21, v8;
	v43 =	vmul.f32 v19, v4;
	v11 =	vld.idx.msk [tilespmem:v13+s9+$0x0], $0xffff  }
0x164: {  	v8 =	vbroadcast v42, $0x0;
	v44 =	vmul.f32 v19, v5  }
0x165: {  	v45 =	vmul.f32 v19, v6;
	[tilespmem:s21+$0x1B700] =	vst v43  }
0x166: {  	v46 =	vmul.f32 v19, v7;
	[tilespmem:s19+$0x1B710] =	vst v44  }
0x167: {  	v47 =	vadd.s32 v21, v10;
	[tilespmem:s19+$0x1B720] =	vst v45;
	v41 =	vmul.f32 v9, v3  }
0x168: {  	v10 =	vbroadcast v47, $0x0;
	[tilespmem:s19+$0x1B730] =	vst v46;
	v48 =	vmul.f32 v11, v12  }
0x169: {  	[tilespmem:s20+$0x1D000] =	vst v41;
	v49 =	vmul.f32 v11, v14  }
0x16a: {  	v8 =	vld.idx.msk [tilespmem:v8+s9+$0x0], $0xffff;
	v50 =	vmul.f32 v11, v15;
	[tilespmem:s16+$0x1B700] =	vst v48  }
0x16b: {  	v51 =	vmul.f32 v11, v17;
	[tilespmem:s22+$0x1B710] =	vst v49  }
0x16c: {  	v52 =	vmul.f32 v9, v2;
	[tilespmem:s22+$0x1B720] =	vst v50  }
0x16d: {  	v53 =	vmul.f32 v9, v1;
	[tilespmem:s22+$0x1B730] =	vst v51  }
0x16e: {  	v54 =	vmul.f32 v9, v0;
	[tilespmem:s18+$0x1D030] =	vst v52;
	v55 =	vld.idx.msk [tilespmem:v10+s9+$0x0], $0xffff  }
0x16f: {  	[tilespmem:s18+$0x1D010] =	vst v53;
	v56 =	vmul.f32 v8, v4  }
0x170: {  	[tilespmem:s18+$0x1D020] =	vst v54;
	v57 =	vmul.f32 v8, v7  }
0x171: {  	v58 =	vmul.f32 v8, v5;
	[tilespmem:s21+$0x1D000] =	vst v56  }
0x172: {  	v59 =	vmul.f32 v8, v6;
	[tilespmem:s19+$0x1D030] =	vst v57  }
0x173: {  	s15 =	sadd.s32 $0x1, s15;
	[tilespmem:s19+$0x1D010] =	vst v58;
	v60 =	vmul.f32 v55, v12  }
0x174: {  	p0 =	sne.s32 s15, $0x8;
	[tilespmem:s19+$0x1D020] =	vst v59;
	v61 =	vmul.f32 v55, v17  }
.Ltmp2:
0x175: {  	s31 =	sadd.s32 s4, s17;
	v62 =	vmul.f32 v55, v14;
	[tilespmem:s16+$0x1D000] =	vst v60;
	(pc) =	sbr.rel @p0 .LBB2_2-.Ltmp2, $4  }
0x176: {  	v63 =	vmul.f32 v55, v15;
	s16 =	smul.u32 $0x320, s31;
	[tilespmem:s22+$0x1D030] =	vst v61  }
0x177: {  	[tilespmem:s22+$0x1D010] =	vst v62  }
0x178: {  	[tilespmem:s22+$0x1D020] =	vst v63;
	s16 =	sadd.s32 s2, s16  }
0x179: {  	[hbm4b:s16+s3] =	stream.linear.scatter [tilespmem:s11], [sflag:$0x2], $0xC800, $0x38;
	[tilespmem:$0x1E900] =	vst v63  }
0x17a: {  	s14 =	sadd.s32 $0x1, s14  }
0x17b: {  	_ =	swait.ge [sflag:s12], $0xC800;
	p0 =	sne.s32 s14, s7  }
.Ltmp3:
0x17c: {  	[sflag:s12] =	ssyncset.done $0x0;
	(pc) =	sbr.rel @p0 .LBB2_1-.Ltmp3, $4  }
0x17d: {  	[sflag:s12] =	ssyncadd.s32 $0xFFFF3800  }
0x17e: {  	_ =	swait.ge [sflag:s13], $0xC800  }
0x17f: {  	[sflag:s13] =	ssyncset.done $0x0  }
0x180: {  	[sflag:s13] =	ssyncadd.s32 $0xFFFF3800  }
0x181: {  	_ =	sfence.sel $0x180000  }
0x182: {  	[bflag:$0x0] =	sbarrier.arrive $0xFFFF  }
0x183: {  	p0 =	sne.s32 s1, $0x0;
	_ =	strace $0x90000047  }
0x184: {  	s0 =	sadd.s32 @!p0 $0x100000, s0;
	[bflag:$0x2] =	sbarrier.arrive $0xFFFF  }
0x185: {  	[sflag:s0] =	ssyncadd.tile.s32 @!p0 $0x1;
	_ =	shalt  }
.Lfunc_end2:
_tile_overlayer_lowered:
.L_overlay_start_2:
0x186: {  	(tag) =	ssettag $0x2  }
0x187: {  	s0 =	rddreg [dreg:$0x0];
	s2 =	stileid.u32  }
0x188: {  	s1 =	rddreg [dreg:$0x1];
	p0 =	sne.s32 s2, $0x0  }
0x189: {  	s3 =	rddreg [dreg:$0x2];
	[bflag:$0x3] =	sbarrier.arrive $0xFFFF;
	s2 =	simm.s32 @!p0 $0x1C03  }
0x18a: {  	[timem:s3], [sflag:s2] =	dma.local @!p0 [hbm:s0], s1  }
0x18b: {  	s0 =	simm.s32 @!p0 $0x3  }
0x18c: {  	_ =	swait.ge @!p0 [sflag:s0], s1  }
0x18d: {  	s1 =	ssub.s32 @!p0 $0x0, s1;
	[sflag:s0] =	ssyncset.done @!p0 $0x0  }
0x18e: {  	[sflag:s0] =	ssyncadd.s32 @!p0 s1  }
0x18f: {  	[bflag:$0x3] =	sbarrier.arrive $0xFFFF  }
0x190: {  	_ =	shalt  }

</sc_bundles>
